<compile_context>
chip_gen: v7x
topology: tpu7x:2x2x1
jax: 0.10.2.dev20260603
libtpu: 0.0.44.dev20260713+nightly
codegen_flags: <defaults>
</compile_context>

<pallas_src>
import jax
import jax.numpy as jnp
from jax import lax
from jax.experimental import pallas as pl
from jax.experimental.pallas import tpu as pltpu
from jax.experimental.pallas import tpu_sc as plsc

_PAD = 2
_DW = 64
_DP = 16
_DOUT = _DW + 2 * _DP
_W = 128
_NC = 2
_NS = 16
_NW = _NC * _NS


def _gather_concat(we, wpe, si, e1, e2, rows):
    rpw = rows // _NW
    nwin = rpw // _W
    mesh = plsc.VectorSubcoreMesh(core_axis_name="core", subcore_axis_name="subcore")

    @pl.kernel(
        out_type=jax.ShapeDtypeStruct((rows, _DOUT), jnp.float32),
        mesh=mesh,
        compiler_params=pltpu.CompilerParams(use_tc_tiling_on_sc=False),
        scratch_types=[
            pltpu.VMEM((nwin, _W), jnp.int32),
            pltpu.VMEM((nwin, _W), jnp.int32),
            pltpu.VMEM((nwin, _W), jnp.int32),
            pltpu.VMEM((_W, _DW), jnp.float32),
            pltpu.VMEM((_W, _DW), jnp.float32),
            pltpu.VMEM((_W, _DP), jnp.float32),
            pltpu.VMEM((_W, _DP), jnp.float32),
            pltpu.VMEM((_W, _DP), jnp.float32),
            pltpu.VMEM((_W, _DP), jnp.float32),
            pltpu.VMEM_SHARED((_NS * 2, _W, _DOUT), jnp.float32),
            pltpu.SemaphoreType.DMA,
            pltpu.SemaphoreType.DMA,
            pltpu.SemaphoreType.DMA,
            pltpu.SemaphoreType.DMA,
            pltpu.SemaphoreType.DMA,
        ],
    )
    def k(we_hbm, wpe_hbm, si_hbm, e1_hbm, e2_hbm, o_hbm,
          isi, ie1, ie2, bweA, bweB, be1A, be1B, be2A, be2B, shb,
          g0s, g1s, asem, w0s, w1s):
        sid = lax.axis_index("subcore")
        wid = lax.axis_index("core") * _NS + sid
        base0 = wid * rpw
        bwe = (bweA, bweB)
        be1 = (be1A, be1B)
        be2 = (be2A, be2B)
        gs = (g0s, g1s)
        ws = (w0s, w1s)
        c0 = pltpu.async_copy(si_hbm.at[wid], isi, g0s)
        c1 = pltpu.async_copy(e1_hbm.at[wid], ie1, g0s)
        c2 = pltpu.async_copy(e2_hbm.at[wid], ie2, g0s)
        c0.wait(); c1.wait(); c2.wait()

        def issue_g(j, p):
            pltpu.async_copy(we_hbm.at[isi.at[j]], bwe[p], gs[p])
            pltpu.async_copy(wpe_hbm.at[ie1.at[j]], be1[p], gs[p])
            pltpu.async_copy(wpe_hbm.at[ie2.at[j]], be2[p], gs[p])

        def wait_g(p):
            pltpu.make_async_copy(we_hbm.at[pl.ds(0, _W)], bwe[p], gs[p]).wait()
            pltpu.make_async_copy(wpe_hbm.at[pl.ds(0, _W)], be1[p], gs[p]).wait()
            pltpu.make_async_copy(wpe_hbm.at[pl.ds(0, _W)], be2[p], gs[p]).wait()

        issue_g(0, 0)

        @pl.loop(0, nwin // 2)
        def _(jj):
            for p in (0, 1):
                j = 2 * jj + p
                mysh = shb.at[sid * 2 + p]
                wait_g(p)

                @pl.when(j + 1 < nwin)
                def _issue_next():
                    issue_g(j + 1, 1 - p)

                @pl.when(j >= 2)
                def _wait_write():
                    pltpu.make_async_copy(
                        mysh, o_hbm.at[pl.ds(base0 + (j - 2) * _W, _W)],
                        ws[p]).wait()

                a0 = pltpu.async_copy(bwe[p], mysh.at[:, pl.ds(0, _DW)], asem)
                a1 = pltpu.async_copy(be1[p], mysh.at[:, pl.ds(_DW, _DP)], asem)
                a2 = pltpu.async_copy(be2[p], mysh.at[:, pl.ds(_DW + _DP, _DP)], asem)
                a0.wait(); a1.wait(); a2.wait()
                pltpu.async_copy(mysh, o_hbm.at[pl.ds(base0 + j * _W, _W)], ws[p])

        pltpu.make_async_copy(
            shb.at[sid * 2], o_hbm.at[pl.ds(base0 + (nwin - 2) * _W, _W)], w0s).wait()
        pltpu.make_async_copy(
            shb.at[sid * 2 + 1], o_hbm.at[pl.ds(base0 + (nwin - 1) * _W, _W)], w1s).wait()

    return k(we, wpe, si, e1, e2)


def kernel(seq_inputs, e1_pos_inputs, e2_pos_inputs, we, wpe):
    b, t = seq_inputs.shape
    tp = t + 2 * _PAD
    rows = b * tp
    rpw = rows // _NW
    nwin = rpw // _W

    si = seq_inputs.astype(jnp.int32)
    e1 = e1_pos_inputs.astype(jnp.int32)
    e2 = e2_pos_inputs.astype(jnp.int32)

    zpad = jnp.zeros((b, _PAD), jnp.int32)
    si_p = jnp.concatenate([zpad, si, zpad], axis=1)

    def edge_pad(x):
        head = jnp.repeat(x[:, :1], _PAD, axis=1)
        tail = jnp.repeat(x[:, -1:], _PAD, axis=1)
        return jnp.concatenate([head, x, tail], axis=1)

    e1_p = edge_pad(e1)
    e2_p = edge_pad(e2)

    out = _gather_concat(
        we, wpe,
        si_p.reshape(_NW, nwin, _W),
        e1_p.reshape(_NW, nwin, _W),
        e2_p.reshape(_NW, nwin, _W),
        rows,
    )
    return out.reshape(b, tp, _DOUT)

# --- scband reference (transcript-rebuilt; emitter-appended) ---
"""Pipeline reference for scband-encoder-layer-31653908972285 (READ-ONLY COPY).

The authoritative reference and input builder live on the scoring server;
editing this copy changes nothing except your own understanding.
"""

import jax, jax.numpy as jnp
import numpy as np

VOCAB_SIZE = 1000000
DW = 64
DP = 16
K = 3
INPUT_LEN = 200
BATCH = 4096
NUM_EXTRA = INPUT_LEN % K  # 2


def setup_inputs(seed: int = 0) -> dict:
    key = jax.random.key(seed)
    k1, k2, k3, k4, k5 = jax.random.split(key, 5)
    seq_inputs = jax.random.randint(k1, (BATCH, INPUT_LEN), 0, VOCAB_SIZE, dtype=jnp.int64 if jax.config.jax_enable_x64 else jnp.int32)
    e1_pos_inputs = jax.random.randint(k2, (BATCH, INPUT_LEN), 0, 2 * INPUT_LEN, dtype=seq_inputs.dtype)
    e2_pos_inputs = jax.random.randint(k3, (BATCH, INPUT_LEN), 0, 2 * INPUT_LEN, dtype=seq_inputs.dtype)
    we = jax.random.normal(k4, (VOCAB_SIZE, DW), dtype=jnp.float32) * 0.02
    wpe = jax.random.normal(k5, (2 * INPUT_LEN, DP), dtype=jnp.float32) * 0.02
    return {"seq_inputs": seq_inputs, "e1_pos_inputs": e1_pos_inputs, "e2_pos_inputs": e2_pos_inputs, "we": we, "wpe": wpe}


def _extra_sequence_padding(tensor):
    b = tensor.shape[0]
    padding = jnp.zeros((b, NUM_EXTRA), dtype=tensor.dtype)
    return jnp.concatenate([padding, tensor, padding], axis=1)


def _extra_pos_padding(tensor):
    head = jnp.repeat(tensor[:, 0:1], NUM_EXTRA, axis=1)
    tail = jnp.repeat(tensor[:, -1:], NUM_EXTRA, axis=1)
    return jnp.concatenate([head, tensor, tail], axis=1)


def reference(seq_inputs, e1_pos_inputs, e2_pos_inputs, we, wpe):
    seq = _extra_sequence_padding(seq_inputs)
    e1 = _extra_pos_padding(e1_pos_inputs)
    e2 = _extra_pos_padding(e2_pos_inputs)
    seq_emb = jnp.take(we, seq, axis=0)
    e1_pos_emb = jnp.take(wpe, e1, axis=0)
    e2_pos_emb = jnp.take(wpe, e2, axis=0)
    return jnp.concatenate([seq_emb, e1_pos_emb, e2_pos_emb], axis=-1)

if __name__ == "__main__":
    import jax
    _d = setup_inputs()
    print(jax.jit(kernel)(*tuple(_d.values())))

</pallas_src>

<mosaic_0001>
#map = affine_map<(d0, d1) -> (0, 0)>
#map1 = affine_map<(d0, d1) -> (0, 0, 0)>
module attributes {stable_mosaic.version = 14 : i64} {
  func.func @k(%arg0: i32, %arg1: i32, %arg2: memref<1000000x64xf32, #tpu.memory_space<hbm>>, %arg3: memref<400x16xf32, #tpu.memory_space<hbm>>, %arg4: memref<32x204x128xi32, #tpu.memory_space<hbm>>, %arg5: memref<32x204x128xi32, #tpu.memory_space<hbm>>, %arg6: memref<32x204x128xi32, #tpu.memory_space<hbm>>, %arg7: memref<835584x96xf32, #tpu.memory_space<hbm>>, %arg8: memref<204x128xi32, #tpu.memory_space<vmem>>, %arg9: memref<204x128xi32, #tpu.memory_space<vmem>>, %arg10: memref<204x128xi32, #tpu.memory_space<vmem>>, %arg11: memref<128x64xf32, #tpu.memory_space<vmem>>, %arg12: memref<128x64xf32, #tpu.memory_space<vmem>>, %arg13: memref<128x16xf32, #tpu.memory_space<vmem>>, %arg14: memref<128x16xf32, #tpu.memory_space<vmem>>, %arg15: memref<128x16xf32, #tpu.memory_space<vmem>>, %arg16: memref<128x16xf32, #tpu.memory_space<vmem>>, %arg17: memref<32x128x96xf32, #tpu.memory_space<vmem_shared>>, %arg18: memref<!tpu.dma_semaphore, #tpu.memory_space<semaphore_mem>>, %arg19: memref<!tpu.dma_semaphore, #tpu.memory_space<semaphore_mem>>, %arg20: memref<!tpu.dma_semaphore, #tpu.memory_space<semaphore_mem>>, %arg21: memref<!tpu.dma_semaphore, #tpu.memory_space<semaphore_mem>>, %arg22: memref<!tpu.dma_semaphore, #tpu.memory_space<semaphore_mem>>) attributes {dimension_semantics = [#tpu.dimension_semantics<core_parallel>, #tpu.dimension_semantics<subcore_parallel>], iteration_bounds = array<i64: 2, 16>, scalar_prefetch = 0 : i64, scratch_operands = 15 : i64, tpu.core_type = #tpu.core_type<sc_vector_subcore>, window_params = [{transform_indices = #map}, {transform_indices = #map}, {transform_indices = #map1}, {transform_indices = #map1}, {transform_indices = #map1}, {transform_indices = #map}]} {
    %mul3A = arith.constant 16 : i32
    %mul3A_0 = arith.muli %arg0, %mul3A : i32
    %add3A = arith.addi %mul3A_0, %arg1 : i32
    %mul3A_1 = arith.constant 26112 : i32
    %mul3A_2 = arith.muli %add3A, %mul3A_1 : i32
    %dma_start3A = arith.constant 0 : i32
    %dma_start3A_3 = arith.constant 0 : i32
    %dma_start3A_4 = tpu.memref_slice %arg4[%add3A, %dma_start3A, %dma_start3A_3] : memref<32x204x128xi32, #tpu.memory_space<hbm>> -> memref<1x204x128xi32, #tpu.memory_space<hbm>>
    %dma_start3A_5 = tpu.memref_squeeze %dma_start3A_4 : memref<1x204x128xi32, #tpu.memory_space<hbm>> -> memref<204x128xi32, #tpu.memory_space<hbm>>
    %dma_start3A_6 = arith.constant 0 : i32
    %dma_start3A_7 = arith.constant 0 : i32
    %dma_start3A_8 = tpu.memref_slice %arg4[%add3A, %dma_start3A_6, %dma_start3A_7] : memref<32x204x128xi32, #tpu.memory_space<hbm>> -> memref<1x204x128xi32, #tpu.memory_space<hbm>>
    %dma_start3A_9 = tpu.memref_squeeze %dma_start3A_8 : memref<1x204x128xi32, #tpu.memory_space<hbm>> -> memref<204x128xi32, #tpu.memory_space<hbm>>
    tpu.enqueue_dma source(%dma_start3A_9 : memref<204x128xi32, #tpu.memory_space<hbm>>) target(%arg8 : memref<204x128xi32, #tpu.memory_space<vmem>>) target_semaphore(%arg18 : memref<!tpu.dma_semaphore, #tpu.memory_space<semaphore_mem>>)
    %dma_start3A_10 = arith.constant 0 : i32
    %dma_start3A_11 = arith.constant 0 : i32
    %dma_start3A_12 = tpu.memref_slice %arg5[%add3A, %dma_start3A_10, %dma_start3A_11] : memref<32x204x128xi32, #tpu.memory_space<hbm>> -> memref<1x204x128xi32, #tpu.memory_space<hbm>>
    %dma_start3A_13 = tpu.memref_squeeze %dma_start3A_12 : memref<1x204x128xi32, #tpu.memory_space<hbm>> -> memref<204x128xi32, #tpu.memory_space<hbm>>
    %dma_start3A_14 = arith.constant 0 : i32
    %dma_start3A_15 = arith.constant 0 : i32
    %dma_start3A_16 = tpu.memref_slice %arg5[%add3A, %dma_start3A_14, %dma_start3A_15] : memref<32x204x128xi32, #tpu.memory_space<hbm>> -> memref<1x204x128xi32, #tpu.memory_space<hbm>>
    %dma_start3A_17 = tpu.memref_squeeze %dma_start3A_16 : memref<1x204x128xi32, #tpu.memory_space<hbm>> -> memref<204x128xi32, #tpu.memory_space<hbm>>
    tpu.enqueue_dma source(%dma_start3A_17 : memref<204x128xi32, #tpu.memory_space<hbm>>) target(%arg9 : memref<204x128xi32, #tpu.memory_space<vmem>>) target_semaphore(%arg18 : memref<!tpu.dma_semaphore, #tpu.memory_space<semaphore_mem>>)
    %dma_start3A_18 = arith.constant 0 : i32
    %dma_start3A_19 = arith.constant 0 : i32
    %dma_start3A_20 = tpu.memref_slice %arg6[%add3A, %dma_start3A_18, %dma_start3A_19] : memref<32x204x128xi32, #tpu.memory_space<hbm>> -> memref<1x204x128xi32, #tpu.memory_space<hbm>>
    %dma_start3A_21 = tpu.memref_squeeze %dma_start3A_20 : memref<1x204x128xi32, #tpu.memory_space<hbm>> -> memref<204x128xi32, #tpu.memory_space<hbm>>
    %dma_start3A_22 = arith.constant 0 : i32
    %dma_start3A_23 = arith.constant 0 : i32
    %dma_start3A_24 = tpu.memref_slice %arg6[%add3A, %dma_start3A_22, %dma_start3A_23] : memref<32x204x128xi32, #tpu.memory_space<hbm>> -> memref<1x204x128xi32, #tpu.memory_space<hbm>>
    %dma_start3A_25 = tpu.memref_squeeze %dma_start3A_24 : memref<1x204x128xi32, #tpu.memory_space<hbm>> -> memref<204x128xi32, #tpu.memory_space<hbm>>
    tpu.enqueue_dma source(%dma_start3A_25 : memref<204x128xi32, #tpu.memory_space<hbm>>) target(%arg10 : memref<204x128xi32, #tpu.memory_space<vmem>>) target_semaphore(%arg18 : memref<!tpu.dma_semaphore, #tpu.memory_space<semaphore_mem>>)
    %dma_wait3A = arith.constant 0 : i32
    %dma_wait3A_26 = arith.constant 0 : i32
    %dma_wait3A_27 = tpu.memref_slice %arg4[%add3A, %dma_wait3A, %dma_wait3A_26] : memref<32x204x128xi32, #tpu.memory_space<hbm>> -> memref<1x204x128xi32, #tpu.memory_space<hbm>>
    %dma_wait3A_28 = tpu.memref_squeeze %dma_wait3A_27 : memref<1x204x128xi32, #tpu.memory_space<hbm>> -> memref<204x128xi32, #tpu.memory_space<hbm>>
    %dma_wait3A_29 = arith.constant 0 : i32
    %dma_wait3A_30 = arith.constant 0 : i32
    %dma_wait3A_31 = tpu.memref_slice %arg4[%add3A, %dma_wait3A_29, %dma_wait3A_30] : memref<32x204x128xi32, #tpu.memory_space<hbm>> -> memref<1x204x128xi32, #tpu.memory_space<hbm>>
    %dma_wait3A_32 = tpu.memref_squeeze %dma_wait3A_31 : memref<1x204x128xi32, #tpu.memory_space<hbm>> -> memref<204x128xi32, #tpu.memory_space<hbm>>
    tpu.wait_dma2 semaphore(%arg18 : memref<!tpu.dma_semaphore, #tpu.memory_space<semaphore_mem>>) src(%dma_wait3A_32 : memref<204x128xi32, #tpu.memory_space<hbm>>) dst(%arg8 : memref<204x128xi32, #tpu.memory_space<vmem>>)
    %dma_wait3A_33 = arith.constant 0 : i32
    %dma_wait3A_34 = arith.constant 0 : i32
    %dma_wait3A_35 = tpu.memref_slice %arg5[%add3A, %dma_wait3A_33, %dma_wait3A_34] : memref<32x204x128xi32, #tpu.memory_space<hbm>> -> memref<1x204x128xi32, #tpu.memory_space<hbm>>
    %dma_wait3A_36 = tpu.memref_squeeze %dma_wait3A_35 : memref<1x204x128xi32, #tpu.memory_space<hbm>> -> memref<204x128xi32, #tpu.memory_space<hbm>>
    %dma_wait3A_37 = arith.constant 0 : i32
    %dma_wait3A_38 = arith.constant 0 : i32
    %dma_wait3A_39 = tpu.memref_slice %arg5[%add3A, %dma_wait3A_37, %dma_wait3A_38] : memref<32x204x128xi32, #tpu.memory_space<hbm>> -> memref<1x204x128xi32, #tpu.memory_space<hbm>>
    %dma_wait3A_40 = tpu.memref_squeeze %dma_wait3A_39 : memref<1x204x128xi32, #tpu.memory_space<hbm>> -> memref<204x128xi32, #tpu.memory_space<hbm>>
    tpu.wait_dma2 semaphore(%arg18 : memref<!tpu.dma_semaphore, #tpu.memory_space<semaphore_mem>>) src(%dma_wait3A_40 : memref<204x128xi32, #tpu.memory_space<hbm>>) dst(%arg9 : memref<204x128xi32, #tpu.memory_space<vmem>>)
    %dma_wait3A_41 = arith.constant 0 : i32
    %dma_wait3A_42 = arith.constant 0 : i32
    %dma_wait3A_43 = tpu.memref_slice %arg6[%add3A, %dma_wait3A_41, %dma_wait3A_42] : memref<32x204x128xi32, #tpu.memory_space<hbm>> -> memref<1x204x128xi32, #tpu.memory_space<hbm>>
    %dma_wait3A_44 = tpu.memref_squeeze %dma_wait3A_43 : memref<1x204x128xi32, #tpu.memory_space<hbm>> -> memref<204x128xi32, #tpu.memory_space<hbm>>
    %dma_wait3A_45 = arith.constant 0 : i32
    %dma_wait3A_46 = arith.constant 0 : i32
    %dma_wait3A_47 = tpu.memref_slice %arg6[%add3A, %dma_wait3A_45, %dma_wait3A_46] : memref<32x204x128xi32, #tpu.memory_space<hbm>> -> memref<1x204x128xi32, #tpu.memory_space<hbm>>
    %dma_wait3A_48 = tpu.memref_squeeze %dma_wait3A_47 : memref<1x204x128xi32, #tpu.memory_space<hbm>> -> memref<204x128xi32, #tpu.memory_space<hbm>>
    tpu.wait_dma2 semaphore(%arg18 : memref<!tpu.dma_semaphore, #tpu.memory_space<semaphore_mem>>) src(%dma_wait3A_48 : memref<204x128xi32, #tpu.memory_space<hbm>>) dst(%arg10 : memref<204x128xi32, #tpu.memory_space<vmem>>)
    %dma_start3A_49 = arith.constant 0 : i32
    %dma_start3A_50 = arith.constant 0 : i32
    %dma_start3A_51 = tpu.memref_slice %arg8[%dma_start3A_49, %dma_start3A_50] : memref<204x128xi32, #tpu.memory_space<vmem>> -> memref<1x128xi32, #tpu.memory_space<vmem>>
    %dma_start3A_52 = tpu.memref_squeeze %dma_start3A_51 : memref<1x128xi32, #tpu.memory_space<vmem>> -> memref<128xi32, #tpu.memory_space<vmem>>
    %dma_start3A_53 = arith.constant 0 : i32
    %dma_start3A_54 = arith.constant 0 : i32
    %dma_start3A_55 = tpu.memref_slice %arg2[%dma_start3A_53, %dma_start3A_54] : memref<1000000x64xf32, #tpu.memory_space<hbm>> -> memref<1000000x64xf32, #tpu.memory_space<hbm>>
    tpu.enqueue_indirect_dma source(%dma_start3A_55 : memref<1000000x64xf32, #tpu.memory_space<hbm>>) target(%arg11 : memref<128x64xf32, #tpu.memory_space<vmem>>) offsets(%dma_start3A_52 : memref<128xi32, #tpu.memory_space<vmem>>) semaphore(%arg18 : memref<!tpu.dma_semaphore, #tpu.memory_space<semaphore_mem>>)
    %dma_start3A_56 = arith.constant 0 : i32
    %dma_start3A_57 = arith.constant 0 : i32
    %dma_start3A_58 = tpu.memref_slice %arg9[%dma_start3A_56, %dma_start3A_57] : memref<204x128xi32, #tpu.memory_space<vmem>> -> memref<1x128xi32, #tpu.memory_space<vmem>>
    %dma_start3A_59 = tpu.memref_squeeze %dma_start3A_58 : memref<1x128xi32, #tpu.memory_space<vmem>> -> memref<128xi32, #tpu.memory_space<vmem>>
    %dma_start3A_60 = arith.constant 0 : i32
    %dma_start3A_61 = arith.constant 0 : i32
    %dma_start3A_62 = tpu.memref_slice %arg3[%dma_start3A_60, %dma_start3A_61] : memref<400x16xf32, #tpu.memory_space<hbm>> -> memref<400x16xf32, #tpu.memory_space<hbm>>
    tpu.enqueue_indirect_dma source(%dma_start3A_62 : memref<400x16xf32, #tpu.memory_space<hbm>>) target(%arg13 : memref<128x16xf32, #tpu.memory_space<vmem>>) offsets(%dma_start3A_59 : memref<128xi32, #tpu.memory_space<vmem>>) semaphore(%arg18 : memref<!tpu.dma_semaphore, #tpu.memory_space<semaphore_mem>>)
    %dma_start3A_63 = arith.constant 0 : i32
    %dma_start3A_64 = arith.constant 0 : i32
    %dma_start3A_65 = tpu.memref_slice %arg10[%dma_start3A_63, %dma_start3A_64] : memref<204x128xi32, #tpu.memory_space<vmem>> -> memref<1x128xi32, #tpu.memory_space<vmem>>
    %dma_start3A_66 = tpu.memref_squeeze %dma_start3A_65 : memref<1x128xi32, #tpu.memory_space<vmem>> -> memref<128xi32, #tpu.memory_space<vmem>>
    %dma_start3A_67 = arith.constant 0 : i32
    %dma_start3A_68 = arith.constant 0 : i32
    %dma_start3A_69 = tpu.memref_slice %arg3[%dma_start3A_67, %dma_start3A_68] : memref<400x16xf32, #tpu.memory_space<hbm>> -> memref<400x16xf32, #tpu.memory_space<hbm>>
    tpu.enqueue_indirect_dma source(%dma_start3A_69 : memref<400x16xf32, #tpu.memory_space<hbm>>) target(%arg15 : memref<128x16xf32, #tpu.memory_space<vmem>>) offsets(%dma_start3A_66 : memref<128xi32, #tpu.memory_space<vmem>>) semaphore(%arg18 : memref<!tpu.dma_semaphore, #tpu.memory_space<semaphore_mem>>)
    %scan3A = arith.constant 0 : i32
    %scan3A_70 = arith.constant 102 : i32
    %scan3A_71 = arith.addi %scan3A, %scan3A_70 : i32
    %scan3A_72 = arith.constant 1 : i32
    scf.for %scan3A_96 = %scan3A to %scan3A_71 step %scan3A_72  : i32 {
      %mul3A_97 = arith.constant 1 : i32
      %mul3A_98 = arith.muli %scan3A_96, %mul3A_97 : i32
      %add3A_99 = arith.constant 0 : i32
      %add3A_100 = arith.addi %add3A_99, %mul3A_98 : i32
      %mul3A_101 = arith.constant 2 : i32
      %mul3A_102 = arith.muli %mul3A_101, %add3A_100 : i32
      %add3A_103 = arith.constant 0 : i32
      %add3A_104 = arith.addi %mul3A_102, %add3A_103 : i32
      %mul3A_105 = arith.constant 2 : i32
      %mul3A_106 = arith.muli %arg1, %mul3A_105 : i32
      %add3A_107 = arith.constant 0 : i32
      %add3A_108 = arith.addi %mul3A_106, %add3A_107 : i32
      %dma_wait3A_109 = arith.constant 0 : i32
      %dma_wait3A_110 = arith.constant 0 : i32
      %dma_wait3A_111 = tpu.memref_slice %arg2[%dma_wait3A_109, %dma_wait3A_110] : memref<1000000x64xf32, #tpu.memory_space<hbm>> -> memref<128x64xf32, #tpu.memory_space<hbm>>
      %dma_wait3A_112 = arith.constant 0 : i32
      %dma_wait3A_113 = arith.constant 0 : i32
      %dma_wait3A_114 = tpu.memref_slice %arg2[%dma_wait3A_112, %dma_wait3A_113] : memref<1000000x64xf32, #tpu.memory_space<hbm>> -> memref<128x64xf32, #tpu.memory_space<hbm>>
      tpu.wait_dma2 semaphore(%arg18 : memref<!tpu.dma_semaphore, #tpu.memory_space<semaphore_mem>>) src(%dma_wait3A_114 : memref<128x64xf32, #tpu.memory_space<hbm>>) dst(%arg11 : memref<128x64xf32, #tpu.memory_space<vmem>>)
      %dma_wait3A_115 = arith.constant 0 : i32
      %dma_wait3A_116 = arith.constant 0 : i32
      %dma_wait3A_117 = tpu.memref_slice %arg3[%dma_wait3A_115, %dma_wait3A_116] : memref<400x16xf32, #tpu.memory_space<hbm>> -> memref<128x16xf32, #tpu.memory_space<hbm>>
      %dma_wait3A_118 = arith.constant 0 : i32
      %dma_wait3A_119 = arith.constant 0 : i32
      %dma_wait3A_120 = tpu.memref_slice %arg3[%dma_wait3A_118, %dma_wait3A_119] : memref<400x16xf32, #tpu.memory_space<hbm>> -> memref<128x16xf32, #tpu.memory_space<hbm>>
      tpu.wait_dma2 semaphore(%arg18 : memref<!tpu.dma_semaphore, #tpu.memory_space<semaphore_mem>>) src(%dma_wait3A_120 : memref<128x16xf32, #tpu.memory_space<hbm>>) dst(%arg13 : memref<128x16xf32, #tpu.memory_space<vmem>>)
      %dma_wait3A_121 = arith.constant 0 : i32
      %dma_wait3A_122 = arith.constant 0 : i32
      %dma_wait3A_123 = tpu.memref_slice %arg3[%dma_wait3A_121, %dma_wait3A_122] : memref<400x16xf32, #tpu.memory_space<hbm>> -> memref<128x16xf32, #tpu.memory_space<hbm>>
      %dma_wait3A_124 = arith.constant 0 : i32
      %dma_wait3A_125 = arith.constant 0 : i32
      %dma_wait3A_126 = tpu.memref_slice %arg3[%dma_wait3A_124, %dma_wait3A_125] : memref<400x16xf32, #tpu.memory_space<hbm>> -> memref<128x16xf32, #tpu.memory_space<hbm>>
      tpu.wait_dma2 semaphore(%arg18 : memref<!tpu.dma_semaphore, #tpu.memory_space<semaphore_mem>>) src(%dma_wait3A_126 : memref<128x16xf32, #tpu.memory_space<hbm>>) dst(%arg15 : memref<128x16xf32, #tpu.memory_space<vmem>>)
      %add3A_127 = arith.constant 1 : i32
      %add3A_128 = arith.addi %add3A_104, %add3A_127 : i32
      %lt3A = arith.constant 204 : i32
      %lt3A_129 = arith.cmpi slt, %add3A_128, %lt3A : i32
      %convert_element_type3A = arith.extui %lt3A_129 : i1 to i32
      %cond3A = arith.constant 0 : i32
      %cond3A_130 = arith.cmpi ne, %convert_element_type3A, %cond3A : i32
      scf.if %cond3A_130 {
        %add3A_359 = arith.constant 1 : i32
        %add3A_360 = arith.addi %add3A_104, %add3A_359 : i32
        %dma_start3A_361 = arith.constant 0 : i32
        %dma_start3A_362 = tpu.memref_slice %arg8[%add3A_360, %dma_start3A_361] : memref<204x128xi32, #tpu.memory_space<vmem>> -> memref<1x128xi32, #tpu.memory_space<vmem>>
        %dma_start3A_363 = tpu.memref_squeeze %dma_start3A_362 : memref<1x128xi32, #tpu.memory_space<vmem>> -> memref<128xi32, #tpu.memory_space<vmem>>
        %dma_start3A_364 = arith.constant 0 : i32
        %dma_start3A_365 = arith.constant 0 : i32
        %dma_start3A_366 = tpu.memref_slice %arg2[%dma_start3A_364, %dma_start3A_365] : memref<1000000x64xf32, #tpu.memory_space<hbm>> -> memref<1000000x64xf32, #tpu.memory_space<hbm>>
        tpu.enqueue_indirect_dma source(%dma_start3A_366 : memref<1000000x64xf32, #tpu.memory_space<hbm>>) target(%arg12 : memref<128x64xf32, #tpu.memory_space<vmem>>) offsets(%dma_start3A_363 : memref<128xi32, #tpu.memory_space<vmem>>) semaphore(%arg19 : memref<!tpu.dma_semaphore, #tpu.memory_space<semaphore_mem>>)
        %dma_start3A_367 = arith.constant 0 : i32
        %dma_start3A_368 = tpu.memref_slice %arg9[%add3A_360, %dma_start3A_367] : memref<204x128xi32, #tpu.memory_space<vmem>> -> memref<1x128xi32, #tpu.memory_space<vmem>>
        %dma_start3A_369 = tpu.memref_squeeze %dma_start3A_368 : memref<1x128xi32, #tpu.memory_space<vmem>> -> memref<128xi32, #tpu.memory_space<vmem>>
        %dma_start3A_370 = arith.constant 0 : i32
        %dma_start3A_371 = arith.constant 0 : i32
        %dma_start3A_372 = tpu.memref_slice %arg3[%dma_start3A_370, %dma_start3A_371] : memref<400x16xf32, #tpu.memory_space<hbm>> -> memref<400x16xf32, #tpu.memory_space<hbm>>
        tpu.enqueue_indirect_dma source(%dma_start3A_372 : memref<400x16xf32, #tpu.memory_space<hbm>>) target(%arg14 : memref<128x16xf32, #tpu.memory_space<vmem>>) offsets(%dma_start3A_369 : memref<128xi32, #tpu.memory_space<vmem>>) semaphore(%arg19 : memref<!tpu.dma_semaphore, #tpu.memory_space<semaphore_mem>>)
        %dma_start3A_373 = arith.constant 0 : i32
        %dma_start3A_374 = tpu.memref_slice %arg10[%add3A_360, %dma_start3A_373] : memref<204x128xi32, #tpu.memory_space<vmem>> -> memref<1x128xi32, #tpu.memory_space<vmem>>
        %dma_start3A_375 = tpu.memref_squeeze %dma_start3A_374 : memref<1x128xi32, #tpu.memory_space<vmem>> -> memref<128xi32, #tpu.memory_space<vmem>>
        %dma_start3A_376 = arith.constant 0 : i32
        %dma_start3A_377 = arith.constant 0 : i32
        %dma_start3A_378 = tpu.memref_slice %arg3[%dma_start3A_376, %dma_start3A_377] : memref<400x16xf32, #tpu.memory_space<hbm>> -> memref<400x16xf32, #tpu.memory_space<hbm>>
        tpu.enqueue_indirect_dma source(%dma_start3A_378 : memref<400x16xf32, #tpu.memory_space<hbm>>) target(%arg16 : memref<128x16xf32, #tpu.memory_space<vmem>>) offsets(%dma_start3A_375 : memref<128xi32, #tpu.memory_space<vmem>>) semaphore(%arg19 : memref<!tpu.dma_semaphore, #tpu.memory_space<semaphore_mem>>)
      } else {
      }
      %ge3A = arith.constant 2 : i32
      %ge3A_131 = arith.cmpi sge, %add3A_104, %ge3A : i32
      %convert_element_type3A_132 = arith.extui %ge3A_131 : i1 to i32
      %cond3A_133 = arith.constant 0 : i32
      %cond3A_134 = arith.cmpi ne, %convert_element_type3A_132, %cond3A_133 : i32
      scf.if %cond3A_134 {
        %sub3A = arith.constant 2 : i32
        %sub3A_359 = arith.subi %add3A_104, %sub3A : i32
        %mul3A_360 = arith.constant 128 : i32
        %mul3A_361 = arith.muli %sub3A_359, %mul3A_360 : i32
        %add3A_362 = arith.addi %mul3A_2, %mul3A_361 : i32
        %dma_wait3A_363 = arith.constant 0 : i32
        %dma_wait3A_364 = tpu.memref_slice %arg7[%add3A_362, %dma_wait3A_363] : memref<835584x96xf32, #tpu.memory_space<hbm>> -> memref<128x96xf32, #tpu.memory_space<hbm>>
        %dma_wait3A_365 = arith.constant 0 : i32
        %dma_wait3A_366 = arith.constant 0 : i32
        %dma_wait3A_367 = tpu.memref_slice %arg17[%add3A_108, %dma_wait3A_365, %dma_wait3A_366] : memref<32x128x96xf32, #tpu.memory_space<vmem_shared>> -> memref<1x128x96xf32, #tpu.memory_space<vmem_shared>>
        %dma_wait3A_368 = tpu.memref_squeeze %dma_wait3A_367 : memref<1x128x96xf32, #tpu.memory_space<vmem_shared>> -> memref<128x96xf32, #tpu.memory_space<vmem_shared>>
        tpu.wait_dma2 semaphore(%arg21 : memref<!tpu.dma_semaphore, #tpu.memory_space<semaphore_mem>>) src(%dma_wait3A_368 : memref<128x96xf32, #tpu.memory_space<vmem_shared>>) dst(%dma_wait3A_364 : memref<128x96xf32, #tpu.memory_space<hbm>>)
      } else {
      }
      %dma_start3A_135 = arith.constant 0 : i32
      %dma_start3A_136 = arith.constant 0 : i32
      %dma_start3A_137 = tpu.memref_slice %arg17[%add3A_108, %dma_start3A_135, %dma_start3A_136] : memref<32x128x96xf32, #tpu.memory_space<vmem_shared>> -> memref<1x128x96xf32, #tpu.memory_space<vmem_shared>>
      %dma_start3A_138 = tpu.memref_squeeze %dma_start3A_137 : memref<1x128x96xf32, #tpu.memory_space<vmem_shared>> -> memref<128x96xf32, #tpu.memory_space<vmem_shared>>
      %dma_start3A_139 = arith.constant 0 : i32
      %dma_start3A_140 = arith.constant 0 : i32
      %dma_start3A_141 = tpu.memref_slice %dma_start3A_138[%dma_start3A_139, %dma_start3A_140] : memref<128x96xf32, #tpu.memory_space<vmem_shared>> -> memref<128x64xf32, #tpu.memory_space<vmem_shared>>
      %dma_start3A_142 = arith.constant 0 : i32
      %dma_start3A_143 = arith.constant 0 : i32
      %dma_start3A_144 = tpu.memref_slice %arg17[%add3A_108, %dma_start3A_142, %dma_start3A_143] : memref<32x128x96xf32, #tpu.memory_space<vmem_shared>> -> memref<1x128x96xf32, #tpu.memory_space<vmem_shared>>
      %dma_start3A_145 = tpu.memref_squeeze %dma_start3A_144 : memref<1x128x96xf32, #tpu.memory_space<vmem_shared>> -> memref<128x96xf32, #tpu.memory_space<vmem_shared>>
      %dma_start3A_146 = arith.constant 0 : i32
      %dma_start3A_147 = arith.constant 0 : i32
      %dma_start3A_148 = tpu.memref_slice %dma_start3A_145[%dma_start3A_146, %dma_start3A_147] : memref<128x96xf32, #tpu.memory_space<vmem_shared>> -> memref<128x64xf32, #tpu.memory_space<vmem_shared>>
      tpu.enqueue_dma source(%arg11 : memref<128x64xf32, #tpu.memory_space<vmem>>) target(%dma_start3A_148 : memref<128x64xf32, #tpu.memory_space<vmem_shared>>) target_semaphore(%arg20 : memref<!tpu.dma_semaphore, #tpu.memory_space<semaphore_mem>>)
      %dma_start3A_149 = arith.constant 0 : i32
      %dma_start3A_150 = arith.constant 0 : i32
      %dma_start3A_151 = tpu.memref_slice %arg17[%add3A_108, %dma_start3A_149, %dma_start3A_150] : memref<32x128x96xf32, #tpu.memory_space<vmem_shared>> -> memref<1x128x96xf32, #tpu.memory_space<vmem_shared>>
      %dma_start3A_152 = tpu.memref_squeeze %dma_start3A_151 : memref<1x128x96xf32, #tpu.memory_space<vmem_shared>> -> memref<128x96xf32, #tpu.memory_space<vmem_shared>>
      %dma_start3A_153 = arith.constant 0 : i32
      %dma_start3A_154 = arith.constant 64 : i32
      %dma_start3A_155 = tpu.memref_slice %dma_start3A_152[%dma_start3A_153, %dma_start3A_154] : memref<128x96xf32, #tpu.memory_space<vmem_shared>> -> memref<128x16xf32, #tpu.memory_space<vmem_shared>>
      %dma_start3A_156 = arith.constant 0 : i32
      %dma_start3A_157 = arith.constant 0 : i32
      %dma_start3A_158 = tpu.memref_slice %arg17[%add3A_108, %dma_start3A_156, %dma_start3A_157] : memref<32x128x96xf32, #tpu.memory_space<vmem_shared>> -> memref<1x128x96xf32, #tpu.memory_space<vmem_shared>>
      %dma_start3A_159 = tpu.memref_squeeze %dma_start3A_158 : memref<1x128x96xf32, #tpu.memory_space<vmem_shared>> -> memref<128x96xf32, #tpu.memory_space<vmem_shared>>
      %dma_start3A_160 = arith.constant 0 : i32
      %dma_start3A_161 = arith.constant 64 : i32
      %dma_start3A_162 = tpu.memref_slice %dma_start3A_159[%dma_start3A_160, %dma_start3A_161] : memref<128x96xf32, #tpu.memory_space<vmem_shared>> -> memref<128x16xf32, #tpu.memory_space<vmem_shared>>
      tpu.enqueue_dma source(%arg13 : memref<128x16xf32, #tpu.memory_space<vmem>>) target(%dma_start3A_162 : memref<128x16xf32, #tpu.memory_space<vmem_shared>>) target_semaphore(%arg20 : memref<!tpu.dma_semaphore, #tpu.memory_space<semaphore_mem>>)
      %dma_start3A_163 = arith.constant 0 : i32
      %dma_start3A_164 = arith.constant 0 : i32
      %dma_start3A_165 = tpu.memref_slice %arg17[%add3A_108, %dma_start3A_163, %dma_start3A_164] : memref<32x128x96xf32, #tpu.memory_space<vmem_shared>> -> memref<1x128x96xf32, #tpu.memory_space<vmem_shared>>
      %dma_start3A_166 = tpu.memref_squeeze %dma_start3A_165 : memref<1x128x96xf32, #tpu.memory_space<vmem_shared>> -> memref<128x96xf32, #tpu.memory_space<vmem_shared>>
      %dma_start3A_167 = arith.constant 0 : i32
      %dma_start3A_168 = arith.constant 80 : i32
      %dma_start3A_169 = tpu.memref_slice %dma_start3A_166[%dma_start3A_167, %dma_start3A_168] : memref<128x96xf32, #tpu.memory_space<vmem_shared>> -> memref<128x16xf32, #tpu.memory_space<vmem_shared>>
      %dma_start3A_170 = arith.constant 0 : i32
      %dma_start3A_171 = arith.constant 0 : i32
      %dma_start3A_172 = tpu.memref_slice %arg17[%add3A_108, %dma_start3A_170, %dma_start3A_171] : memref<32x128x96xf32, #tpu.memory_space<vmem_shared>> -> memref<1x128x96xf32, #tpu.memory_space<vmem_shared>>
      %dma_start3A_173 = tpu.memref_squeeze %dma_start3A_172 : memref<1x128x96xf32, #tpu.memory_space<vmem_shared>> -> memref<128x96xf32, #tpu.memory_space<vmem_shared>>
      %dma_start3A_174 = arith.constant 0 : i32
      %dma_start3A_175 = arith.constant 80 : i32
      %dma_start3A_176 = tpu.memref_slice %dma_start3A_173[%dma_start3A_174, %dma_start3A_175] : memref<128x96xf32, #tpu.memory_space<vmem_shared>> -> memref<128x16xf32, #tpu.memory_space<vmem_shared>>
      tpu.enqueue_dma source(%arg15 : memref<128x16xf32, #tpu.memory_space<vmem>>) target(%dma_start3A_176 : memref<128x16xf32, #tpu.memory_space<vmem_shared>>) target_semaphore(%arg20 : memref<!tpu.dma_semaphore, #tpu.memory_space<semaphore_mem>>)
      %dma_wait3A_177 = arith.constant 0 : i32
      %dma_wait3A_178 = arith.constant 0 : i32
      %dma_wait3A_179 = tpu.memref_slice %arg17[%add3A_108, %dma_wait3A_177, %dma_wait3A_178] : memref<32x128x96xf32, #tpu.memory_space<vmem_shared>> -> memref<1x128x96xf32, #tpu.memory_space<vmem_shared>>
      %dma_wait3A_180 = tpu.memref_squeeze %dma_wait3A_179 : memref<1x128x96xf32, #tpu.memory_space<vmem_shared>> -> memref<128x96xf32, #tpu.memory_space<vmem_shared>>
      %dma_wait3A_181 = arith.constant 0 : i32
      %dma_wait3A_182 = arith.constant 0 : i32
      %dma_wait3A_183 = tpu.memref_slice %dma_wait3A_180[%dma_wait3A_181, %dma_wait3A_182] : memref<128x96xf32, #tpu.memory_space<vmem_shared>> -> memref<128x64xf32, #tpu.memory_space<vmem_shared>>
      %dma_wait3A_184 = arith.constant 0 : i32
      %dma_wait3A_185 = arith.constant 0 : i32
      %dma_wait3A_186 = tpu.memref_slice %arg17[%add3A_108, %dma_wait3A_184, %dma_wait3A_185] : memref<32x128x96xf32, #tpu.memory_space<vmem_shared>> -> memref<1x128x96xf32, #tpu.memory_space<vmem_shared>>
      %dma_wait3A_187 = tpu.memref_squeeze %dma_wait3A_186 : memref<1x128x96xf32, #tpu.memory_space<vmem_shared>> -> memref<128x96xf32, #tpu.memory_space<vmem_shared>>
      %dma_wait3A_188 = arith.constant 0 : i32
      %dma_wait3A_189 = arith.constant 0 : i32
      %dma_wait3A_190 = tpu.memref_slice %dma_wait3A_187[%dma_wait3A_188, %dma_wait3A_189] : memref<128x96xf32, #tpu.memory_space<vmem_shared>> -> memref<128x64xf32, #tpu.memory_space<vmem_shared>>
      tpu.wait_dma2 semaphore(%arg20 : memref<!tpu.dma_semaphore, #tpu.memory_space<semaphore_mem>>) src(%arg11 : memref<128x64xf32, #tpu.memory_space<vmem>>) dst(%dma_wait3A_190 : memref<128x64xf32, #tpu.memory_space<vmem_shared>>)
      %dma_wait3A_191 = arith.constant 0 : i32
      %dma_wait3A_192 = arith.constant 0 : i32
      %dma_wait3A_193 = tpu.memref_slice %arg17[%add3A_108, %dma_wait3A_191, %dma_wait3A_192] : memref<32x128x96xf32, #tpu.memory_space<vmem_shared>> -> memref<1x128x96xf32, #tpu.memory_space<vmem_shared>>
      %dma_wait3A_194 = tpu.memref_squeeze %dma_wait3A_193 : memref<1x128x96xf32, #tpu.memory_space<vmem_shared>> -> memref<128x96xf32, #tpu.memory_space<vmem_shared>>
      %dma_wait3A_195 = arith.constant 0 : i32
      %dma_wait3A_196 = arith.constant 64 : i32
      %dma_wait3A_197 = tpu.memref_slice %dma_wait3A_194[%dma_wait3A_195, %dma_wait3A_196] : memref<128x96xf32, #tpu.memory_space<vmem_shared>> -> memref<128x16xf32, #tpu.memory_space<vmem_shared>>
      %dma_wait3A_198 = arith.constant 0 : i32
      %dma_wait3A_199 = arith.constant 0 : i32
      %dma_wait3A_200 = tpu.memref_slice %arg17[%add3A_108, %dma_wait3A_198, %dma_wait3A_199] : memref<32x128x96xf32, #tpu.memory_space<vmem_shared>> -> memref<1x128x96xf32, #tpu.memory_space<vmem_shared>>
      %dma_wait3A_201 = tpu.memref_squeeze %dma_wait3A_200 : memref<1x128x96xf32, #tpu.memory_space<vmem_shared>> -> memref<128x96xf32, #tpu.memory_space<vmem_shared>>
      %dma_wait3A_202 = arith.constant 0 : i32
      %dma_wait3A_203 = arith.constant 64 : i32
      %dma_wait3A_204 = tpu.memref_slice %dma_wait3A_201[%dma_wait3A_202, %dma_wait3A_203] : memref<128x96xf32, #tpu.memory_space<vmem_shared>> -> memref<128x16xf32, #tpu.memory_space<vmem_shared>>
      tpu.wait_dma2 semaphore(%arg20 : memref<!tpu.dma_semaphore, #tpu.memory_space<semaphore_mem>>) src(%arg13 : memref<128x16xf32, #tpu.memory_space<vmem>>) dst(%dma_wait3A_204 : memref<128x16xf32, #tpu.memory_space<vmem_shared>>)
      %dma_wait3A_205 = arith.constant 0 : i32
      %dma_wait3A_206 = arith.constant 0 : i32
      %dma_wait3A_207 = tpu.memref_slice %arg17[%add3A_108, %dma_wait3A_205, %dma_wait3A_206] : memref<32x128x96xf32, #tpu.memory_space<vmem_shared>> -> memref<1x128x96xf32, #tpu.memory_space<vmem_shared>>
      %dma_wait3A_208 = tpu.memref_squeeze %dma_wait3A_207 : memref<1x128x96xf32, #tpu.memory_space<vmem_shared>> -> memref<128x96xf32, #tpu.memory_space<vmem_shared>>
      %dma_wait3A_209 = arith.constant 0 : i32
      %dma_wait3A_210 = arith.constant 80 : i32
      %dma_wait3A_211 = tpu.memref_slice %dma_wait3A_208[%dma_wait3A_209, %dma_wait3A_210] : memref<128x96xf32, #tpu.memory_space<vmem_shared>> -> memref<128x16xf32, #tpu.memory_space<vmem_shared>>
      %dma_wait3A_212 = arith.constant 0 : i32
      %dma_wait3A_213 = arith.constant 0 : i32
      %dma_wait3A_214 = tpu.memref_slice %arg17[%add3A_108, %dma_wait3A_212, %dma_wait3A_213] : memref<32x128x96xf32, #tpu.memory_space<vmem_shared>> -> memref<1x128x96xf32, #tpu.memory_space<vmem_shared>>
      %dma_wait3A_215 = tpu.memref_squeeze %dma_wait3A_214 : memref<1x128x96xf32, #tpu.memory_space<vmem_shared>> -> memref<128x96xf32, #tpu.memory_space<vmem_shared>>
      %dma_wait3A_216 = arith.constant 0 : i32
      %dma_wait3A_217 = arith.constant 80 : i32
      %dma_wait3A_218 = tpu.memref_slice %dma_wait3A_215[%dma_wait3A_216, %dma_wait3A_217] : memref<128x96xf32, #tpu.memory_space<vmem_shared>> -> memref<128x16xf32, #tpu.memory_space<vmem_shared>>
      tpu.wait_dma2 semaphore(%arg20 : memref<!tpu.dma_semaphore, #tpu.memory_space<semaphore_mem>>) src(%arg15 : memref<128x16xf32, #tpu.memory_space<vmem>>) dst(%dma_wait3A_218 : memref<128x16xf32, #tpu.memory_space<vmem_shared>>)
      %mul3A_219 = arith.constant 128 : i32
      %mul3A_220 = arith.muli %add3A_104, %mul3A_219 : i32
      %add3A_221 = arith.addi %mul3A_2, %mul3A_220 : i32
      %dma_start3A_222 = arith.constant 0 : i32
      %dma_start3A_223 = tpu.memref_slice %arg7[%add3A_221, %dma_start3A_222] : memref<835584x96xf32, #tpu.memory_space<hbm>> -> memref<128x96xf32, #tpu.memory_space<hbm>>
      %dma_start3A_224 = arith.constant 0 : i32
      %dma_start3A_225 = arith.constant 0 : i32
      %dma_start3A_226 = tpu.memref_slice %arg17[%add3A_108, %dma_start3A_224, %dma_start3A_225] : memref<32x128x96xf32, #tpu.memory_space<vmem_shared>> -> memref<1x128x96xf32, #tpu.memory_space<vmem_shared>>
      %dma_start3A_227 = tpu.memref_squeeze %dma_start3A_226 : memref<1x128x96xf32, #tpu.memory_space<vmem_shared>> -> memref<128x96xf32, #tpu.memory_space<vmem_shared>>
      tpu.enqueue_dma source(%dma_start3A_227 : memref<128x96xf32, #tpu.memory_space<vmem_shared>>) target(%dma_start3A_223 : memref<128x96xf32, #tpu.memory_space<hbm>>) target_semaphore(%arg21 : memref<!tpu.dma_semaphore, #tpu.memory_space<semaphore_mem>>)
      %mul3A_228 = arith.constant 2 : i32
      %mul3A_229 = arith.muli %mul3A_228, %add3A_100 : i32
      %add3A_230 = arith.constant 1 : i32
      %add3A_231 = arith.addi %mul3A_229, %add3A_230 : i32
      %mul3A_232 = arith.constant 2 : i32
      %mul3A_233 = arith.muli %arg1, %mul3A_232 : i32
      %add3A_234 = arith.constant 1 : i32
      %add3A_235 = arith.addi %mul3A_233, %add3A_234 : i32
      %dma_wait3A_236 = arith.constant 0 : i32
      %dma_wait3A_237 = arith.constant 0 : i32
      %dma_wait3A_238 = tpu.memref_slice %arg2[%dma_wait3A_236, %dma_wait3A_237] : memref<1000000x64xf32, #tpu.memory_space<hbm>> -> memref<128x64xf32, #tpu.memory_space<hbm>>
      %dma_wait3A_239 = arith.constant 0 : i32
      %dma_wait3A_240 = arith.constant 0 : i32
      %dma_wait3A_241 = tpu.memref_slice %arg2[%dma_wait3A_239, %dma_wait3A_240] : memref<1000000x64xf32, #tpu.memory_space<hbm>> -> memref<128x64xf32, #tpu.memory_space<hbm>>
      tpu.wait_dma2 semaphore(%arg19 : memref<!tpu.dma_semaphore, #tpu.memory_space<semaphore_mem>>) src(%dma_wait3A_241 : memref<128x64xf32, #tpu.memory_space<hbm>>) dst(%arg12 : memref<128x64xf32, #tpu.memory_space<vmem>>)
      %dma_wait3A_242 = arith.constant 0 : i32
      %dma_wait3A_243 = arith.constant 0 : i32
      %dma_wait3A_244 = tpu.memref_slice %arg3[%dma_wait3A_242, %dma_wait3A_243] : memref<400x16xf32, #tpu.memory_space<hbm>> -> memref<128x16xf32, #tpu.memory_space<hbm>>
      %dma_wait3A_245 = arith.constant 0 : i32
      %dma_wait3A_246 = arith.constant 0 : i32
      %dma_wait3A_247 = tpu.memref_slice %arg3[%dma_wait3A_245, %dma_wait3A_246] : memref<400x16xf32, #tpu.memory_space<hbm>> -> memref<128x16xf32, #tpu.memory_space<hbm>>
      tpu.wait_dma2 semaphore(%arg19 : memref<!tpu.dma_semaphore, #tpu.memory_space<semaphore_mem>>) src(%dma_wait3A_247 : memref<128x16xf32, #tpu.memory_space<hbm>>) dst(%arg14 : memref<128x16xf32, #tpu.memory_space<vmem>>)
      %dma_wait3A_248 = arith.constant 0 : i32
      %dma_wait3A_249 = arith.constant 0 : i32
      %dma_wait3A_250 = tpu.memref_slice %arg3[%dma_wait3A_248, %dma_wait3A_249] : memref<400x16xf32, #tpu.memory_space<hbm>> -> memref<128x16xf32, #tpu.memory_space<hbm>>
      %dma_wait3A_251 = arith.constant 0 : i32
      %dma_wait3A_252 = arith.constant 0 : i32
      %dma_wait3A_253 = tpu.memref_slice %arg3[%dma_wait3A_251, %dma_wait3A_252] : memref<400x16xf32, #tpu.memory_space<hbm>> -> memref<128x16xf32, #tpu.memory_space<hbm>>
      tpu.wait_dma2 semaphore(%arg19 : memref<!tpu.dma_semaphore, #tpu.memory_space<semaphore_mem>>) src(%dma_wait3A_253 : memref<128x16xf32, #tpu.memory_space<hbm>>) dst(%arg16 : memref<128x16xf32, #tpu.memory_space<vmem>>)
      %add3A_254 = arith.constant 1 : i32
      %add3A_255 = arith.addi %add3A_231, %add3A_254 : i32
      %lt3A_256 = arith.constant 204 : i32
      %lt3A_257 = arith.cmpi slt, %add3A_255, %lt3A_256 : i32
      %convert_element_type3A_258 = arith.extui %lt3A_257 : i1 to i32
      %cond3A_259 = arith.constant 0 : i32
      %cond3A_260 = arith.cmpi ne, %convert_element_type3A_258, %cond3A_259 : i32
      scf.if %cond3A_260 {
        %add3A_359 = arith.constant 1 : i32
        %add3A_360 = arith.addi %add3A_231, %add3A_359 : i32
        %dma_start3A_361 = arith.constant 0 : i32
        %dma_start3A_362 = tpu.memref_slice %arg8[%add3A_360, %dma_start3A_361] : memref<204x128xi32, #tpu.memory_space<vmem>> -> memref<1x128xi32, #tpu.memory_space<vmem>>
        %dma_start3A_363 = tpu.memref_squeeze %dma_start3A_362 : memref<1x128xi32, #tpu.memory_space<vmem>> -> memref<128xi32, #tpu.memory_space<vmem>>
        %dma_start3A_364 = arith.constant 0 : i32
        %dma_start3A_365 = arith.constant 0 : i32
        %dma_start3A_366 = tpu.memref_slice %arg2[%dma_start3A_364, %dma_start3A_365] : memref<1000000x64xf32, #tpu.memory_space<hbm>> -> memref<1000000x64xf32, #tpu.memory_space<hbm>>
        tpu.enqueue_indirect_dma source(%dma_start3A_366 : memref<1000000x64xf32, #tpu.memory_space<hbm>>) target(%arg11 : memref<128x64xf32, #tpu.memory_space<vmem>>) offsets(%dma_start3A_363 : memref<128xi32, #tpu.memory_space<vmem>>) semaphore(%arg18 : memref<!tpu.dma_semaphore, #tpu.memory_space<semaphore_mem>>)
        %dma_start3A_367 = arith.constant 0 : i32
        %dma_start3A_368 = tpu.memref_slice %arg9[%add3A_360, %dma_start3A_367] : memref<204x128xi32, #tpu.memory_space<vmem>> -> memref<1x128xi32, #tpu.memory_space<vmem>>
        %dma_start3A_369 = tpu.memref_squeeze %dma_start3A_368 : memref<1x128xi32, #tpu.memory_space<vmem>> -> memref<128xi32, #tpu.memory_space<vmem>>
        %dma_start3A_370 = arith.constant 0 : i32
        %dma_start3A_371 = arith.constant 0 : i32
        %dma_start3A_372 = tpu.memref_slice %arg3[%dma_start3A_370, %dma_start3A_371] : memref<400x16xf32, #tpu.memory_space<hbm>> -> memref<400x16xf32, #tpu.memory_space<hbm>>
        tpu.enqueue_indirect_dma source(%dma_start3A_372 : memref<400x16xf32, #tpu.memory_space<hbm>>) target(%arg13 : memref<128x16xf32, #tpu.memory_space<vmem>>) offsets(%dma_start3A_369 : memref<128xi32, #tpu.memory_space<vmem>>) semaphore(%arg18 : memref<!tpu.dma_semaphore, #tpu.memory_space<semaphore_mem>>)
        %dma_start3A_373 = arith.constant 0 : i32
        %dma_start3A_374 = tpu.memref_slice %arg10[%add3A_360, %dma_start3A_373] : memref<204x128xi32, #tpu.memory_space<vmem>> -> memref<1x128xi32, #tpu.memory_space<vmem>>
        %dma_start3A_375 = tpu.memref_squeeze %dma_start3A_374 : memref<1x128xi32, #tpu.memory_space<vmem>> -> memref<128xi32, #tpu.memory_space<vmem>>
        %dma_start3A_376 = arith.constant 0 : i32
        %dma_start3A_377 = arith.constant 0 : i32
        %dma_start3A_378 = tpu.memref_slice %arg3[%dma_start3A_376, %dma_start3A_377] : memref<400x16xf32, #tpu.memory_space<hbm>> -> memref<400x16xf32, #tpu.memory_space<hbm>>
        tpu.enqueue_indirect_dma source(%dma_start3A_378 : memref<400x16xf32, #tpu.memory_space<hbm>>) target(%arg15 : memref<128x16xf32, #tpu.memory_space<vmem>>) offsets(%dma_start3A_375 : memref<128xi32, #tpu.memory_space<vmem>>) semaphore(%arg18 : memref<!tpu.dma_semaphore, #tpu.memory_space<semaphore_mem>>)
      } else {
      }
      %ge3A_261 = arith.constant 2 : i32
      %ge3A_262 = arith.cmpi sge, %add3A_231, %ge3A_261 : i32
      %convert_element_type3A_263 = arith.extui %ge3A_262 : i1 to i32
      %cond3A_264 = arith.constant 0 : i32
      %cond3A_265 = arith.cmpi ne, %convert_element_type3A_263, %cond3A_264 : i32
      scf.if %cond3A_265 {
        %sub3A = arith.constant 2 : i32
        %sub3A_359 = arith.subi %add3A_231, %sub3A : i32
        %mul3A_360 = arith.constant 128 : i32
        %mul3A_361 = arith.muli %sub3A_359, %mul3A_360 : i32
        %add3A_362 = arith.addi %mul3A_2, %mul3A_361 : i32
        %dma_wait3A_363 = arith.constant 0 : i32
        %dma_wait3A_364 = tpu.memref_slice %arg7[%add3A_362, %dma_wait3A_363] : memref<835584x96xf32, #tpu.memory_space<hbm>> -> memref<128x96xf32, #tpu.memory_space<hbm>>
        %dma_wait3A_365 = arith.constant 0 : i32
        %dma_wait3A_366 = arith.constant 0 : i32
        %dma_wait3A_367 = tpu.memref_slice %arg17[%add3A_235, %dma_wait3A_365, %dma_wait3A_366] : memref<32x128x96xf32, #tpu.memory_space<vmem_shared>> -> memref<1x128x96xf32, #tpu.memory_space<vmem_shared>>
        %dma_wait3A_368 = tpu.memref_squeeze %dma_wait3A_367 : memref<1x128x96xf32, #tpu.memory_space<vmem_shared>> -> memref<128x96xf32, #tpu.memory_space<vmem_shared>>
        tpu.wait_dma2 semaphore(%arg22 : memref<!tpu.dma_semaphore, #tpu.memory_space<semaphore_mem>>) src(%dma_wait3A_368 : memref<128x96xf32, #tpu.memory_space<vmem_shared>>) dst(%dma_wait3A_364 : memref<128x96xf32, #tpu.memory_space<hbm>>)
      } else {
      }
      %dma_start3A_266 = arith.constant 0 : i32
      %dma_start3A_267 = arith.constant 0 : i32
      %dma_start3A_268 = tpu.memref_slice %arg17[%add3A_235, %dma_start3A_266, %dma_start3A_267] : memref<32x128x96xf32, #tpu.memory_space<vmem_shared>> -> memref<1x128x96xf32, #tpu.memory_space<vmem_shared>>
      %dma_start3A_269 = tpu.memref_squeeze %dma_start3A_268 : memref<1x128x96xf32, #tpu.memory_space<vmem_shared>> -> memref<128x96xf32, #tpu.memory_space<vmem_shared>>
      %dma_start3A_270 = arith.constant 0 : i32
      %dma_start3A_271 = arith.constant 0 : i32
      %dma_start3A_272 = tpu.memref_slice %dma_start3A_269[%dma_start3A_270, %dma_start3A_271] : memref<128x96xf32, #tpu.memory_space<vmem_shared>> -> memref<128x64xf32, #tpu.memory_space<vmem_shared>>
      %dma_start3A_273 = arith.constant 0 : i32
      %dma_start3A_274 = arith.constant 0 : i32
      %dma_start3A_275 = tpu.memref_slice %arg17[%add3A_235, %dma_start3A_273, %dma_start3A_274] : memref<32x128x96xf32, #tpu.memory_space<vmem_shared>> -> memref<1x128x96xf32, #tpu.memory_space<vmem_shared>>
      %dma_start3A_276 = tpu.memref_squeeze %dma_start3A_275 : memref<1x128x96xf32, #tpu.memory_space<vmem_shared>> -> memref<128x96xf32, #tpu.memory_space<vmem_shared>>
      %dma_start3A_277 = arith.constant 0 : i32
      %dma_start3A_278 = arith.constant 0 : i32
      %dma_start3A_279 = tpu.memref_slice %dma_start3A_276[%dma_start3A_277, %dma_start3A_278] : memref<128x96xf32, #tpu.memory_space<vmem_shared>> -> memref<128x64xf32, #tpu.memory_space<vmem_shared>>
      tpu.enqueue_dma source(%arg12 : memref<128x64xf32, #tpu.memory_space<vmem>>) target(%dma_start3A_279 : memref<128x64xf32, #tpu.memory_space<vmem_shared>>) target_semaphore(%arg20 : memref<!tpu.dma_semaphore, #tpu.memory_space<semaphore_mem>>)
      %dma_start3A_280 = arith.constant 0 : i32
      %dma_start3A_281 = arith.constant 0 : i32
      %dma_start3A_282 = tpu.memref_slice %arg17[%add3A_235, %dma_start3A_280, %dma_start3A_281] : memref<32x128x96xf32, #tpu.memory_space<vmem_shared>> -> memref<1x128x96xf32, #tpu.memory_space<vmem_shared>>
      %dma_start3A_283 = tpu.memref_squeeze %dma_start3A_282 : memref<1x128x96xf32, #tpu.memory_space<vmem_shared>> -> memref<128x96xf32, #tpu.memory_space<vmem_shared>>
      %dma_start3A_284 = arith.constant 0 : i32
      %dma_start3A_285 = arith.constant 64 : i32
      %dma_start3A_286 = tpu.memref_slice %dma_start3A_283[%dma_start3A_284, %dma_start3A_285] : memref<128x96xf32, #tpu.memory_space<vmem_shared>> -> memref<128x16xf32, #tpu.memory_space<vmem_shared>>
      %dma_start3A_287 = arith.constant 0 : i32
      %dma_start3A_288 = arith.constant 0 : i32
      %dma_start3A_289 = tpu.memref_slice %arg17[%add3A_235, %dma_start3A_287, %dma_start3A_288] : memref<32x128x96xf32, #tpu.memory_space<vmem_shared>> -> memref<1x128x96xf32, #tpu.memory_space<vmem_shared>>
      %dma_start3A_290 = tpu.memref_squeeze %dma_start3A_289 : memref<1x128x96xf32, #tpu.memory_space<vmem_shared>> -> memref<128x96xf32, #tpu.memory_space<vmem_shared>>
      %dma_start3A_291 = arith.constant 0 : i32
      %dma_start3A_292 = arith.constant 64 : i32
      %dma_start3A_293 = tpu.memref_slice %dma_start3A_290[%dma_start3A_291, %dma_start3A_292] : memref<128x96xf32, #tpu.memory_space<vmem_shared>> -> memref<128x16xf32, #tpu.memory_space<vmem_shared>>
      tpu.enqueue_dma source(%arg14 : memref<128x16xf32, #tpu.memory_space<vmem>>) target(%dma_start3A_293 : memref<128x16xf32, #tpu.memory_space<vmem_shared>>) target_semaphore(%arg20 : memref<!tpu.dma_semaphore, #tpu.memory_space<semaphore_mem>>)
      %dma_start3A_294 = arith.constant 0 : i32
      %dma_start3A_295 = arith.constant 0 : i32
      %dma_start3A_296 = tpu.memref_slice %arg17[%add3A_235, %dma_start3A_294, %dma_start3A_295] : memref<32x128x96xf32, #tpu.memory_space<vmem_shared>> -> memref<1x128x96xf32, #tpu.memory_space<vmem_shared>>
      %dma_start3A_297 = tpu.memref_squeeze %dma_start3A_296 : memref<1x128x96xf32, #tpu.memory_space<vmem_shared>> -> memref<128x96xf32, #tpu.memory_space<vmem_shared>>
      %dma_start3A_298 = arith.constant 0 : i32
      %dma_start3A_299 = arith.constant 80 : i32
      %dma_start3A_300 = tpu.memref_slice %dma_start3A_297[%dma_start3A_298, %dma_start3A_299] : memref<128x96xf32, #tpu.memory_space<vmem_shared>> -> memref<128x16xf32, #tpu.memory_space<vmem_shared>>
      %dma_start3A_301 = arith.constant 0 : i32
      %dma_start3A_302 = arith.constant 0 : i32
      %dma_start3A_303 = tpu.memref_slice %arg17[%add3A_235, %dma_start3A_301, %dma_start3A_302] : memref<32x128x96xf32, #tpu.memory_space<vmem_shared>> -> memref<1x128x96xf32, #tpu.memory_space<vmem_shared>>
      %dma_start3A_304 = tpu.memref_squeeze %dma_start3A_303 : memref<1x128x96xf32, #tpu.memory_space<vmem_shared>> -> memref<128x96xf32, #tpu.memory_space<vmem_shared>>
      %dma_start3A_305 = arith.constant 0 : i32
      %dma_start3A_306 = arith.constant 80 : i32
      %dma_start3A_307 = tpu.memref_slice %dma_start3A_304[%dma_start3A_305, %dma_start3A_306] : memref<128x96xf32, #tpu.memory_space<vmem_shared>> -> memref<128x16xf32, #tpu.memory_space<vmem_shared>>
      tpu.enqueue_dma source(%arg16 : memref<128x16xf32, #tpu.memory_space<vmem>>) target(%dma_start3A_307 : memref<128x16xf32, #tpu.memory_space<vmem_shared>>) target_semaphore(%arg20 : memref<!tpu.dma_semaphore, #tpu.memory_space<semaphore_mem>>)
      %dma_wait3A_308 = arith.constant 0 : i32
      %dma_wait3A_309 = arith.constant 0 : i32
      %dma_wait3A_310 = tpu.memref_slice %arg17[%add3A_235, %dma_wait3A_308, %dma_wait3A_309] : memref<32x128x96xf32, #tpu.memory_space<vmem_shared>> -> memref<1x128x96xf32, #tpu.memory_space<vmem_shared>>
      %dma_wait3A_311 = tpu.memref_squeeze %dma_wait3A_310 : memref<1x128x96xf32, #tpu.memory_space<vmem_shared>> -> memref<128x96xf32, #tpu.memory_space<vmem_shared>>
      %dma_wait3A_312 = arith.constant 0 : i32
      %dma_wait3A_313 = arith.constant 0 : i32
      %dma_wait3A_314 = tpu.memref_slice %dma_wait3A_311[%dma_wait3A_312, %dma_wait3A_313] : memref<128x96xf32, #tpu.memory_space<vmem_shared>> -> memref<128x64xf32, #tpu.memory_space<vmem_shared>>
      %dma_wait3A_315 = arith.constant 0 : i32
      %dma_wait3A_316 = arith.constant 0 : i32
      %dma_wait3A_317 = tpu.memref_slice %arg17[%add3A_235, %dma_wait3A_315, %dma_wait3A_316] : memref<32x128x96xf32, #tpu.memory_space<vmem_shared>> -> memref<1x128x96xf32, #tpu.memory_space<vmem_shared>>
      %dma_wait3A_318 = tpu.memref_squeeze %dma_wait3A_317 : memref<1x128x96xf32, #tpu.memory_space<vmem_shared>> -> memref<128x96xf32, #tpu.memory_space<vmem_shared>>
      %dma_wait3A_319 = arith.constant 0 : i32
      %dma_wait3A_320 = arith.constant 0 : i32
      %dma_wait3A_321 = tpu.memref_slice %dma_wait3A_318[%dma_wait3A_319, %dma_wait3A_320] : memref<128x96xf32, #tpu.memory_space<vmem_shared>> -> memref<128x64xf32, #tpu.memory_space<vmem_shared>>
      tpu.wait_dma2 semaphore(%arg20 : memref<!tpu.dma_semaphore, #tpu.memory_space<semaphore_mem>>) src(%arg12 : memref<128x64xf32, #tpu.memory_space<vmem>>) dst(%dma_wait3A_321 : memref<128x64xf32, #tpu.memory_space<vmem_shared>>)
      %dma_wait3A_322 = arith.constant 0 : i32
      %dma_wait3A_323 = arith.constant 0 : i32
      %dma_wait3A_324 = tpu.memref_slice %arg17[%add3A_235, %dma_wait3A_322, %dma_wait3A_323] : memref<32x128x96xf32, #tpu.memory_space<vmem_shared>> -> memref<1x128x96xf32, #tpu.memory_space<vmem_shared>>
      %dma_wait3A_325 = tpu.memref_squeeze %dma_wait3A_324 : memref<1x128x96xf32, #tpu.memory_space<vmem_shared>> -> memref<128x96xf32, #tpu.memory_space<vmem_shared>>
      %dma_wait3A_326 = arith.constant 0 : i32
      %dma_wait3A_327 = arith.constant 64 : i32
      %dma_wait3A_328 = tpu.memref_slice %dma_wait3A_325[%dma_wait3A_326, %dma_wait3A_327] : memref<128x96xf32, #tpu.memory_space<vmem_shared>> -> memref<128x16xf32, #tpu.memory_space<vmem_shared>>
      %dma_wait3A_329 = arith.constant 0 : i32
      %dma_wait3A_330 = arith.constant 0 : i32
      %dma_wait3A_331 = tpu.memref_slice %arg17[%add3A_235, %dma_wait3A_329, %dma_wait3A_330] : memref<32x128x96xf32, #tpu.memory_space<vmem_shared>> -> memref<1x128x96xf32, #tpu.memory_space<vmem_shared>>
      %dma_wait3A_332 = tpu.memref_squeeze %dma_wait3A_331 : memref<1x128x96xf32, #tpu.memory_space<vmem_shared>> -> memref<128x96xf32, #tpu.memory_space<vmem_shared>>
      %dma_wait3A_333 = arith.constant 0 : i32
      %dma_wait3A_334 = arith.constant 64 : i32
      %dma_wait3A_335 = tpu.memref_slice %dma_wait3A_332[%dma_wait3A_333, %dma_wait3A_334] : memref<128x96xf32, #tpu.memory_space<vmem_shared>> -> memref<128x16xf32, #tpu.memory_space<vmem_shared>>
      tpu.wait_dma2 semaphore(%arg20 : memref<!tpu.dma_semaphore, #tpu.memory_space<semaphore_mem>>) src(%arg14 : memref<128x16xf32, #tpu.memory_space<vmem>>) dst(%dma_wait3A_335 : memref<128x16xf32, #tpu.memory_space<vmem_shared>>)
      %dma_wait3A_336 = arith.constant 0 : i32
      %dma_wait3A_337 = arith.constant 0 : i32
      %dma_wait3A_338 = tpu.memref_slice %arg17[%add3A_235, %dma_wait3A_336, %dma_wait3A_337] : memref<32x128x96xf32, #tpu.memory_space<vmem_shared>> -> memref<1x128x96xf32, #tpu.memory_space<vmem_shared>>
      %dma_wait3A_339 = tpu.memref_squeeze %dma_wait3A_338 : memref<1x128x96xf32, #tpu.memory_space<vmem_shared>> -> memref<128x96xf32, #tpu.memory_space<vmem_shared>>
      %dma_wait3A_340 = arith.constant 0 : i32
      %dma_wait3A_341 = arith.constant 80 : i32
      %dma_wait3A_342 = tpu.memref_slice %dma_wait3A_339[%dma_wait3A_340, %dma_wait3A_341] : memref<128x96xf32, #tpu.memory_space<vmem_shared>> -> memref<128x16xf32, #tpu.memory_space<vmem_shared>>
      %dma_wait3A_343 = arith.constant 0 : i32
      %dma_wait3A_344 = arith.constant 0 : i32
      %dma_wait3A_345 = tpu.memref_slice %arg17[%add3A_235, %dma_wait3A_343, %dma_wait3A_344] : memref<32x128x96xf32, #tpu.memory_space<vmem_shared>> -> memref<1x128x96xf32, #tpu.memory_space<vmem_shared>>
      %dma_wait3A_346 = tpu.memref_squeeze %dma_wait3A_345 : memref<1x128x96xf32, #tpu.memory_space<vmem_shared>> -> memref<128x96xf32, #tpu.memory_space<vmem_shared>>
      %dma_wait3A_347 = arith.constant 0 : i32
      %dma_wait3A_348 = arith.constant 80 : i32
      %dma_wait3A_349 = tpu.memref_slice %dma_wait3A_346[%dma_wait3A_347, %dma_wait3A_348] : memref<128x96xf32, #tpu.memory_space<vmem_shared>> -> memref<128x16xf32, #tpu.memory_space<vmem_shared>>
      tpu.wait_dma2 semaphore(%arg20 : memref<!tpu.dma_semaphore, #tpu.memory_space<semaphore_mem>>) src(%arg16 : memref<128x16xf32, #tpu.memory_space<vmem>>) dst(%dma_wait3A_349 : memref<128x16xf32, #tpu.memory_space<vmem_shared>>)
      %mul3A_350 = arith.constant 128 : i32
      %mul3A_351 = arith.muli %add3A_231, %mul3A_350 : i32
      %add3A_352 = arith.addi %mul3A_2, %mul3A_351 : i32
      %dma_start3A_353 = arith.constant 0 : i32
      %dma_start3A_354 = tpu.memref_slice %arg7[%add3A_352, %dma_start3A_353] : memref<835584x96xf32, #tpu.memory_space<hbm>> -> memref<128x96xf32, #tpu.memory_space<hbm>>
      %dma_start3A_355 = arith.constant 0 : i32
      %dma_start3A_356 = arith.constant 0 : i32
      %dma_start3A_357 = tpu.memref_slice %arg17[%add3A_235, %dma_start3A_355, %dma_start3A_356] : memref<32x128x96xf32, #tpu.memory_space<vmem_shared>> -> memref<1x128x96xf32, #tpu.memory_space<vmem_shared>>
      %dma_start3A_358 = tpu.memref_squeeze %dma_start3A_357 : memref<1x128x96xf32, #tpu.memory_space<vmem_shared>> -> memref<128x96xf32, #tpu.memory_space<vmem_shared>>
      tpu.enqueue_dma source(%dma_start3A_358 : memref<128x96xf32, #tpu.memory_space<vmem_shared>>) target(%dma_start3A_354 : memref<128x96xf32, #tpu.memory_space<hbm>>) target_semaphore(%arg22 : memref<!tpu.dma_semaphore, #tpu.memory_space<semaphore_mem>>)
    }
    %scan3A_73 = arith.constant 102 : i32
    %mul3A_74 = arith.constant 2 : i32
    %mul3A_75 = arith.muli %arg1, %mul3A_74 : i32
    %add3A_76 = arith.constant 25856 : i32
    %add3A_77 = arith.addi %mul3A_2, %add3A_76 : i32
    %dma_wait3A_78 = arith.constant 0 : i32
    %dma_wait3A_79 = tpu.memref_slice %arg7[%add3A_77, %dma_wait3A_78] : memref<835584x96xf32, #tpu.memory_space<hbm>> -> memref<128x96xf32, #tpu.memory_space<hbm>>
    %dma_wait3A_80 = arith.constant 0 : i32
    %dma_wait3A_81 = arith.constant 0 : i32
    %dma_wait3A_82 = tpu.memref_slice %arg17[%mul3A_75, %dma_wait3A_80, %dma_wait3A_81] : memref<32x128x96xf32, #tpu.memory_space<vmem_shared>> -> memref<1x128x96xf32, #tpu.memory_space<vmem_shared>>
    %dma_wait3A_83 = tpu.memref_squeeze %dma_wait3A_82 : memref<1x128x96xf32, #tpu.memory_space<vmem_shared>> -> memref<128x96xf32, #tpu.memory_space<vmem_shared>>
    tpu.wait_dma2 semaphore(%arg21 : memref<!tpu.dma_semaphore, #tpu.memory_space<semaphore_mem>>) src(%dma_wait3A_83 : memref<128x96xf32, #tpu.memory_space<vmem_shared>>) dst(%dma_wait3A_79 : memref<128x96xf32, #tpu.memory_space<hbm>>)
    %mul3A_84 = arith.constant 2 : i32
    %mul3A_85 = arith.muli %arg1, %mul3A_84 : i32
    %add3A_86 = arith.constant 1 : i32
    %add3A_87 = arith.addi %mul3A_85, %add3A_86 : i32
    %add3A_88 = arith.constant 25984 : i32
    %add3A_89 = arith.addi %mul3A_2, %add3A_88 : i32
    %dma_wait3A_90 = arith.constant 0 : i32
    %dma_wait3A_91 = tpu.memref_slice %arg7[%add3A_89, %dma_wait3A_90] : memref<835584x96xf32, #tpu.memory_space<hbm>> -> memref<128x96xf32, #tpu.memory_space<hbm>>
    %dma_wait3A_92 = arith.constant 0 : i32
    %dma_wait3A_93 = arith.constant 0 : i32
    %dma_wait3A_94 = tpu.memref_slice %arg17[%add3A_87, %dma_wait3A_92, %dma_wait3A_93] : memref<32x128x96xf32, #tpu.memory_space<vmem_shared>> -> memref<1x128x96xf32, #tpu.memory_space<vmem_shared>>
    %dma_wait3A_95 = tpu.memref_squeeze %dma_wait3A_94 : memref<1x128x96xf32, #tpu.memory_space<vmem_shared>> -> memref<128x96xf32, #tpu.memory_space<vmem_shared>>
    tpu.wait_dma2 semaphore(%arg22 : memref<!tpu.dma_semaphore, #tpu.memory_space<semaphore_mem>>) src(%dma_wait3A_95 : memref<128x96xf32, #tpu.memory_space<vmem_shared>>) dst(%dma_wait3A_91 : memref<128x96xf32, #tpu.memory_space<hbm>>)
    return
  }
}

</mosaic_0001>

<sc_bundles>
// kernel: kernel.3.cloned.1.call-start
scs
__scs_entry_jumppad:
0x0: {  	(pc) =	sbr.rel $0x88, $3  }
0x1: {  	(tag) =	ssettag $0x0;
	lr =	simm.s32 $0x1  }
0x2: {  	[smem:$0x3F9C] =	sst lr;
	_ =	strace $0xD0000000  }
0x3: {  	_ = 	snop  }
0x4: {  	_ = 	snop  }
0x5: {  	_ = 	snop  }
0x6: {  	_ = 	snop  }
0x7: {  	_ = 	snop  }
__scs_overlays_trampoline_lowered:
0x8: {  	[smem:$0x3FAB] =	sst s0  }
0x9: {  	[smem:$0x3FAC] =	sst s1  }
0xa: {  	[smem:$0x3FAD] =	sst s2  }
0xb: {  	[smem:$0x3FAE] =	sst s3  }
0xc: {  	[smem:$0x3FAF] =	sst s4  }
0xd: {  	[smem:$0x3FB0] =	sst s5  }
0xe: {  	[smem:$0x3FB1] =	sst s6  }
0xf: {  	[smem:$0x3FB2] =	sst s7  }
0x10: {  	[smem:$0x3FB3] =	sst s8  }
0x11: {  	[smem:$0x3FB4] =	sst s9;
	s0 =	simm.s32 @!p0 $0x0  }
0x12: {  	s1 =	sld [smem:$0x3F9A];
	s0 =	simm.s32 @p0 $0x1  }
0x13: {  	[smem:$0x3FB5] =	sst s0;
	s0 =	simm.s32 @!p1 $0x0  }
0x14: {  	s2 =	sld [smem:$0x3F99];
	s0 =	simm.s32 @p1 $0x1  }
0x15: {  	[smem:$0x3FB6] =	sst s0;
	s0 =	simm.s32 @!p2 $0x0  }
0x16: {  	s3 =	sld [smem:$0x3FDB];
	s0 =	simm.s32 @p2 $0x1  }
0x17: {  	s4 =	simm.s32 $0x1BF5;
	[smem:$0x3FB8] =	sst s0  }
0x18: {  	s0 =	sld [smem:$0x3F9B];
	_ =	swait.ge [sflag:s4], $0x0  }
0x19: {  	s7 =	sld [smem:$0x3F9C]  }
0x1a: {  	s8 =	sadd.s32 $0xFFFFE003, lr  }
0x1b: {  	s9 =	sadd.s32 $0xFFFFFEF7, lr;
	s5 =	simm.s32 $0xFFFFFFFF;
	p2 =	slt.u32 s8, $0xFFFFF086  }
0x1c: {  	p1 =	slt.u32 s9, $0xF7A;
	s5 =	simm.s32 @!p2 $0x0  }
0x1d: {  	s5 =	simm.s32 @p1 $0x1;
	p0 =	seq.s32 s7, s2  }
0x1e: {  	s7 =	smul.u32 @!p0 $0xF7A, s2;
	p2 =	seq.s32 @!p0 s5, $0x0  }
0x1f: {  	s9 =	smul.u32 $0xF7A, s1;
	s8 =	simm.s32 @!p0 $0x1BF5;
	p2 =	por !p2, p0  }
0x20: {  	[sflag:s8] =	ssyncset.s32 @!p0 $0xFFFFF086;
	s6 =	sadd.s32 @!p0 s3, s7;
	s7 =	simm.s32 @!p0 $0x108  }
0x21: {  	s3 =	sadd.s32 s3, s9;
	s6 =	sadd.s32 @!p0 $0x88, s6;
	s7 =	simm.s32 @p2 $0x1082  }
0x22: {  	[simem:s7], [sflag:s8] =	dma.local @!p0 [hbm:s6], $0xF7A  }
0x23: {  	s9 =	sor.u32 $0xD0000000, s2;
	s6 =	simm.s32 $0x108;
	_ =	swait.ge @!p0 [sflag:s8], $0x0  }
0x24: {  	s3 =	sadd.s32 $0x88, s3;
	s6 =	simm.s32 @!p1 $0x1082;
	[sflag:s4] =	ssyncset.s32 $0xFFFFF086  }
0x25: {  	[simem:s6], [sflag:s4] =	dma.local [hbm:s3], $0xF7A  }
0x26: {  	[smem:$0x3F9C] =	sst s1;
	(tag) =	ssettag s2;
	_ =	strace s9  }
0x27: {  	s1 =	sld [smem:$0x3FAC]  }
0x28: {  	s2 =	sld [smem:$0x3FAD]  }
0x29: {  	s4 =	sld [smem:$0x3FAF]  }
0x2a: {  	p0 =	seq.s32 s5, $0x0;
	s5 =	sld [smem:$0x3FB0]  }
0x2b: {  	s6 =	sld [smem:$0x3FB1]  }
0x2c: {  	s7 =	sld [smem:$0x3FB2]  }
0x2d: {  	s3 =	simm.s32 $0x108;
	s8 =	sld [smem:$0x3FB3]  }
0x2e: {  	s3 =	simm.s32 @!p0 $0x1082;
	s9 =	sld [smem:$0x3FB4]  }
0x2f: {  	lr =	sadd.s32 s0, s3;
	s0 =	sld [smem:$0x3FAB]  }
0x30: {  	s3 =	sld [smem:$0x3FAE]  }
0x31: {  	[smem:$0x3FB7] =	sst s10  }
0x32: {  	s10 =	sld [smem:$0x3FB5];
	_ =	sdelay $0x3  }
0x33: {  	p0 =	seq.s32 s10, $0x1;
	s10 =	sld [smem:$0x3FB7];
	_ =	sdelay $0x3  }
0x34: {  	[smem:$0x3FB7] =	sst s10  }
0x35: {  	s10 =	sld [smem:$0x3FB6];
	_ =	sdelay $0x3  }
0x36: {  	p1 =	seq.s32 s10, $0x1;
	s10 =	sld [smem:$0x3FB7];
	_ =	sdelay $0x3  }
0x37: {  	[smem:$0x3FB7] =	sst s10  }
0x38: {  	s10 =	sld [smem:$0x3FB8]  }
0x39: {  	_ = 	snop;
	(pc) =	sbr.ind lr, $3  }
0x3a: {  	_ = 	snop  }
0x3b: {  	_ = 	snop  }
0x3c: {  	p2 =	seq.s32 s10, $0x1;
	s10 =	sld [smem:$0x3FB7]  }
0x3d: {  	_ =	shalt  }
0x3e: {  	_ =	shalt  }
0x3f: {  	_ =	shalt  }
0x40: {  	_ =	shalt  }
0x41: {  	_ =	shalt  }
0x42: {  	_ =	shalt  }
0x43: {  	_ =	shalt  }
0x44: {  	_ =	shalt  }
0x45: {  	_ =	shalt  }
0x46: {  	_ =	shalt  }
0x47: {  	_ =	shalt  }
0x48: {  	_ =	shalt  }
0x49: {  	_ =	shalt  }
0x4a: {  	_ =	shalt  }
0x4b: {  	_ =	shalt  }
0x4c: {  	_ =	shalt  }
0x4d: {  	_ =	shalt  }
0x4e: {  	_ =	shalt  }
0x4f: {  	_ =	shalt  }
0x50: {  	_ =	shalt  }
0x51: {  	_ =	shalt  }
0x52: {  	_ =	shalt  }
0x53: {  	_ =	shalt  }
0x54: {  	_ =	shalt  }
0x55: {  	_ =	shalt  }
0x56: {  	_ =	shalt  }
0x57: {  	_ =	shalt  }
0x58: {  	_ =	shalt  }
0x59: {  	_ =	shalt  }
0x5a: {  	_ =	shalt  }
0x5b: {  	_ =	shalt  }
0x5c: {  	_ =	shalt  }
0x5d: {  	_ =	shalt  }
0x5e: {  	_ =	shalt  }
0x5f: {  	_ =	shalt  }
0x60: {  	_ =	shalt  }
0x61: {  	_ =	shalt  }
0x62: {  	_ =	shalt  }
0x63: {  	_ =	shalt  }
0x64: {  	_ =	shalt  }
0x65: {  	_ =	shalt  }
0x66: {  	_ =	shalt  }
0x67: {  	_ =	shalt  }
0x68: {  	_ =	shalt  }
0x69: {  	_ =	shalt  }
0x6a: {  	_ =	shalt  }
0x6b: {  	_ =	shalt  }
0x6c: {  	_ =	shalt  }
0x6d: {  	_ =	shalt  }
0x6e: {  	_ =	shalt  }
0x6f: {  	_ =	shalt  }
0x70: {  	_ =	shalt  }
0x71: {  	_ =	shalt  }
0x72: {  	_ =	shalt  }
0x73: {  	_ =	shalt  }
0x74: {  	_ =	shalt  }
0x75: {  	_ =	shalt  }
0x76: {  	_ =	shalt  }
0x77: {  	_ =	shalt  }
0x78: {  	_ =	shalt  }
0x79: {  	_ =	shalt  }
0x7a: {  	_ =	shalt  }
0x7b: {  	_ =	shalt  }
0x7c: {  	_ =	shalt  }
0x7d: {  	_ =	shalt  }
0x7e: {  	_ =	shalt  }
0x7f: {  	_ =	shalt  }
0x80: {  	_ =	shalt  }
0x81: {  	_ =	shalt  }
0x82: {  	_ =	shalt  }
0x83: {  	_ =	shalt  }
0x84: {  	_ =	shalt  }
0x85: {  	_ =	shalt  }
0x86: {  	_ =	shalt  }
0x87: {  	_ =	shalt  }
.Lfunc_end0:
.L_simem_size_0:
called_computation.1_lowered:
.L_overlay_start_0:
0x88: {  	s2 =	sld [smem:$0x3FD9]  }
0x89: {  	s3 =	sld [smem:$0x3FFE];
	_ =	sdelay $0x1  }
0x8a: {  	s1 =	srdreg.scid  }
0x8b: {  	s0 =	sand.u32 $0x1, s1  }
0x8c: {  	s17 =	sshll.u32 s0, $0xA;
	s2 =	sadd.s32 s3, s2  }
0x8d: {  	s2 =	sadd.s32 s2, s17  }
0x8e: {  	[smem:$0x3FC3] =	sst s2  }
0x8f: {  	_ = 	snop  }
0x90: {  	s2 =	sld [smem:$0x3FD0];
	(tm) =	ssettm $0x1  }
0x91: {  	s18 =	sld [smem:$0x3FFB];
	_ =	sdelay $0x3  }
0x92: {  	_ =	strace s18  }
0x93: {  	s3 =	sld [smem:$0x3FFC];
	_ =	sdelay $0x3  }
0x94: {  	_ =	strace s3  }
0x95: {  	s3 =	sld [smem:$0x3FFD];
	_ =	sdelay $0x3  }
0x96: {  	_ =	strace s3  }
0x97: {  	_ =	strace $0x8FFFFFFF  }
0x98: {  	s19 =	sld [smem:$0x3FDB];
	_ =	sdelay $0x1  }
0x99: {  	s4 =	simm.s32 $_scs_section_size  }
0x9a: {  	s5 =	simm.s32 $_size__tile_overlayer_lowered;
	s6 =	simm.s32 $_tile_overlayer_lowered  }
0x9b: {  	s22 =	simm.s32 $0x1BFF;
	s21 =	sshll.u32 s6, $0x1;
	s3 =	sadd.s32 s4, s19  }
0x9c: {  	s7 =	simm.s32 $0x0;
	s20 =	sshll.u32 s5, $0x1;
	s5 =	sadd.s32 s21, s3  }
0x9d: {  	[timem:s7], [sflag:s22] =	dma.local [hbm:s5], s20  }
0x9e: {  	_ =	swait.ge [sflag:s22], s20  }
0x9f: {  	s4 =	ssub.s32 $0x0, s20;
	[sflag:s22] =	ssyncset.done $0x0  }
0xa0: {  	[sflag:s22] =	ssyncadd.s32 s4;
	_ =	sdelay $0x1  }
0xa1: {  	s23 =	simm.s32 $0x1B8B  }
0xa2: {  	_ =	swait.ge [sflag:s23], $0x1  }
0xa3: {  	[sflag:s23] =	ssyncset.done $0x0  }
0xa4: {  	s25 =	simm.s32 $0x1B8E;
	s24 =	sld [smem:$0x3FFE];
	[sflag:s23] =	ssyncadd.s32 $0xFFFFFFFF  }
0xa5: {  	s26 =	simm.s32 $execute0_lowered;
	[smem:$0x3FD2] =	sst s25  }
0xa6: {  	s5 =	sshll.u32 s26, $0x1;
	_ =	strace $0x80000046;
	[dreg:$0x1] =	wrdreg $0xFFFFFFFF  }
0xa7: {  	s28 =	simm.s32 $_size_execute0_lowered;
	s3 =	sadd.s32 s3, s5;
	[dreg:$0x0] =	wrdreg $0x0  }
0xa8: {  	s5 =	sshll.u32 s28, $0x1;
	[dreg:$0x2] =	wrdreg s3  }
0xa9: {  	[dreg:$0x3] =	wrdreg s5  }
0xaa: {  	[dreg:$0x4] =	wrdreg $0xC0  }
0xab: {  	_ =	task [dreg:s7], $0x5FFFF  }
0xac: {  	[dreg:$0x1] =	wrdreg $0xFFFFFFFF  }
0xad: {  	[dreg:$0x0] =	wrdreg $0x60  }
0xae: {  	[dreg:$0x2] =	wrdreg s24  }
0xaf: {  	[dreg:$0x3] =	wrdreg s2  }
0xb0: {  	[dreg:$0x4] =	wrdreg $0x192000  }
0xb1: {  	[dreg:$0x5] =	wrdreg $0x9  }
0xb2: {  	_ =	task.clear_ibuf [dreg:s7], $0x6FFFF;
	_ =	strace $0x90000046  }
0xb3: {  	s29 =	simm.s32 $0x9;
	_ =	strace $0x80000048  }
0xb4: {  	_ =	swait.ge [sflag:s29], $0x1  }
0xb5: {  	[sflag:s29] =	ssyncadd.s32 $0xFFFFFFFF  }
0xb6: {  	_ =	strace $0x90000048  }
0xb7: {  	_ =	sfence  }
0xb8: {  	s30 =	sld [smem:$0x0];
	_ =	sdelay $0x2  }
0xb9: {  	s31 =	sshll.u32 s1, $0xD;
	s1 =	sshrl.u32 s1, $0x2  }
0xba: {  	s3 =	sand.u32 $0x4000, s31;
	s1 =	sadd.s32 s1, s30  }
0xbb: {  	s0 =	sor.u32 s3, s0;
	s1 =	sshll.u32 s1, $0x11  }
0xbc: {  	s0 =	sor.u32 s1, s0  }
0xbd: {  	s0 =	sadd.s32 $0x8F2B, s0  }
0xbe: {  	[sflag:s0] =	ssyncadd.remote.s32 $0x1  }
0xbf: {  	_ =	sfence.sel $0xFFFF  }
0xc0: {  	[dreg:$0x0] =	wrdreg $0xFFFFFFFF;
	(pc) =	sbr.abs _section_cstart, $3  }
0xc1: {  	[dreg:$0x1] =	wrdreg $0xFFFFFFFF  }
0xc2: {  	_ =	task.clear_ibuf [dreg:s7], $0x2FFFF;
	_ =	strace $0x9FFFFFFF  }
0xc3: {  	(tm) =	ssettm $0x7FFFFFFF  }
tec
execute0_lowered:
.L_overlay_start_1:
0x0: {  	(tag) =	ssettag $0x1  }
0x1: {  	s0 =	rddreg [dreg:$0x0]  }
0x2: {  	s5 =	rddreg [dreg:$0x1]  }
0x3: {  	s1 =	srdreg.scid;
	s7 =	rddreg [dreg:$0x2]  }
0x4: {  	s2 =	simm.s32 $0x0;
	s18 =	simm.s32 $0x1;
	s19 =	simm.s32 $0x80  }
0x5: {  	s20 =	simm.s32 $0x13200;
	s28 =	simm.s32 $0x60;
	s29 =	simm.s32 $0x10  }
0x6: {  	s30 =	simm.s32 $0x3;
	s6 =	sand.u32 $0x1, s1;
	s1 =	stileid.u32  }
0x7: {  	s31 =	simm.s32 $0x2;
	[smem:$0x7FF] =	sst s2;
	s11 =	smul.u32 $0x18000, s1  }
0x8: {  	s3 =	sshll.u32 s6, $0x4;
	_ =	strace $0x80000047;
	s24 =	smul.u32 $0x4C8000, s6  }
0x9: {  	s8 =	ssub.s32 $0x2, s6;
	s25 =	smul.u32 $0x4C800, s1;
	s3 =	sor.u32 s1, s3  }
0xa: {  	s6 =	simm.s32 $0x0;
	s10 =	sshrl.u32 s8, $0x1;
	s4 =	smul.u32 $0x6600, s3  }
0xb: {  	s3 =	sadd.s32 $0xF43800, s0;
	s14 =	ssub.s32 s8, s10;
	s23 =	sshrl.u32 s11, $0x2  }
0xc: {  	s8 =	sadd.s32 s23, s7;
	s26 =	smax.u32 s14, $0x1;
	s23 =	simm.s32 $0x15200  }
0xd: {  	s9 =	sshrl.u32 s4, $0x3;
	s4 =	sadd.s32 $0x1400, s0;
	s10 =	sadd.s32 $0x50, s8  }
0xe: {  	s11 =	sadd.s32 $0x3000, s8;
	s12 =	sadd.s32 $0x3040, s8;
	s0 =	sadd.s32 s9, s0  }
0xf: {  	s13 =	sadd.s32 $0x3050, s8;
	[dreg:$0x7] =	wrdreg s26;
	s21 =	sadd.s32 $0x1800, s0  }
0x10: {  	s26 =	simm.s32 $0x40;
	s22 =	sadd.s32 $0x1B000, s0;
	[dreg:$0x4] =	wrdreg s21  }
0x11: {  	s9 =	sadd.s32 $0x40, s8;
	s0 =	sadd.s32 $0x34800, s0;
	[dreg:$0x5] =	wrdreg s22  }
0x12: {  	[dreg:$0x6] =	wrdreg s0;
	s0 =	sadd.s32 s24, s5;
	s21 =	simm.s32 $0x17200  }
0x13: {  	s22 =	simm.s32 $0x18200;
	s24 =	simm.s32 $0x17A00;
	s0 =	sadd.s32 s25, s0  }
0x14: {  	s5 =	simm.s32 $0x5;
	s25 =	simm.s32 $0x18A00;
	[dreg:$0x8] =	wrdreg s0  }
.LBB2_1:
0x15: {  	s0 =	simm.s32 $0x0;
	s2 =	rddreg [dreg:$0x4]  }
0x16: {  	[tilespmem:s0], [sflag:$0x1] =	stream.linear.gather [hbm4b:s2+s0], $0x6600, $0x38;
	[tilespmem:$0x1F200] =	vst v63  }
0x17: {  	s16 =	rddreg [dreg:$0x5];
	s7 =	simm.s32 $0x6600  }
0x18: {  	[tilespmem:s7], [sflag:$0x1] =	stream.linear.gather [hbm4b:s16+s0], $0x6600, $0x38;
	[tilespmem:$0x1F200] =	vst v63  }
0x19: {  	s17 =	rddreg [dreg:$0x6];
	s14 =	simm.s32 $0xCC00  }
0x1a: {  	[tilespmem:s14], [sflag:$0x1] =	stream.linear.gather [hbm4b:s17+s0], $0x6600, $0x38;
	[tilespmem:$0x1F200] =	vst v63  }
0x1b: {  	_ =	swait.ge [sflag:s18], $0x6600  }
0x1c: {  	[sflag:s18] =	ssyncset.done $0x0  }
0x1d: {  	[sflag:s18] =	ssyncadd.s32 $0xFFFF9A00  }
0x1e: {  	_ =	swait.ge [sflag:s18], $0x6600  }
0x1f: {  	[sflag:s18] =	ssyncset.done $0x0  }
0x20: {  	[sflag:s18] =	ssyncadd.s32 $0xFFFF9A00  }
0x21: {  	_ =	swait.ge [sflag:s18], $0x6600  }
0x22: {  	[sflag:s18] =	ssyncset.done $0x0  }
0x23: {  	[sflag:s18] =	ssyncadd.s32 $0xFFFF9A00  }
0x24: {  	[tilespmem:s20], [sflag:$0x1] =	stream.indirect.gather [hbm4b:s3+s19], $0x40, s0, s19, $0xb8;
	[tilespmem:$0x1F200] =	vst v63  }
0x25: {  	_ = 	snop  }
0x26: {  	[tilespmem:s21], [sflag:$0x1] =	stream.indirect.gather [hbm4b:s4+s19], $0x10, s7, s19, $0xb8;
	[tilespmem:$0x1F200] =	vst v63  }
0x27: {  	s16 =	simm.s32 $0x0;
	s15 =	rddreg [dreg:$0x8]  }
0x28: {  	[tilespmem:s22], [sflag:$0x1] =	stream.indirect.gather [hbm4b:s4+s19], $0x10, s14, s19, $0xb8;
	[tilespmem:$0x1F200] =	vst v63  }
.LBB2_2:
0x29: {  	_ =	swait.ge [sflag:s18], $0x2000  }
0x2a: {  	[sflag:s18] =	ssyncset.done $0x0  }
0x2b: {  	[sflag:s18] =	ssyncadd.s32 $0xFFFFE000  }
0x2c: {  	_ =	swait.ge [sflag:s18], $0x800  }
0x2d: {  	[sflag:s18] =	ssyncset.done $0x0  }
0x2e: {  	[sflag:s18] =	ssyncadd.s32 $0xFFFFF800  }
0x2f: {  	_ =	swait.ge [sflag:s18], $0x800  }
0x30: {  	s14 =	sshra.s32 s16, $0x2;
	[sflag:s18] =	ssyncset.done $0x0  }
0x31: {  	s17 =	sadd.s32 $0x80, s14;
	[sflag:s18] =	ssyncadd.s32 $0xFFFFF800  }
0x32: {  	[tilespmem:s23], [sflag:$0x2] =	stream.indirect.gather [hbm4b:s3+s19], $0x40, s17, s19, $0xb8;
	[tilespmem:$0x1F200] =	vst v63  }
0x33: {  	s0 =	sadd.s32 $0x6680, s14  }
0x34: {  	[tilespmem:s24], [sflag:$0x2] =	stream.indirect.gather [hbm4b:s4+s19], $0x10, s0, s19, $0xb8;
	[tilespmem:$0x1F200] =	vst v63  }
0x35: {  	p0 =	seq.s32 s16, $0x0;
	s14 =	sadd.s32 $0xCC80, s14  }
0x36: {  	[tilespmem:s25], [sflag:$0x2] =	stream.indirect.gather [hbm4b:s4+s19], $0x10, s14, s19, $0xb8;
	[tilespmem:$0x1F200] =	vst v63  }
0x37: {  	s14 =	simm.s32 @!p0 $0x4  }
0x38: {  	_ =	swait.ge @!p0 [sflag:s14], $0x600  }
0x39: {  	[sflag:s14] =	ssyncset.done @!p0 $0x0  }
0x3a: {  	[sflag:s14] =	ssyncadd.s32 @!p0 $0xFFFFFA00  }
0x3b: {  	[spmem:s8] =	stream.strided.scatter [tilespmem:s20], [sflag:$0x3], $0x2000, s28, s26, $0x38;
	[tilespmem:$0x1F200] =	vst v63  }
0x3c: {  	_ = 	snop  }
0x3d: {  	[spmem:s9] =	stream.strided.scatter [tilespmem:s21], [sflag:$0x3], $0x800, s28, s29, $0x38;
	[tilespmem:$0x1F200] =	vst v63  }
0x3e: {  	_ = 	snop  }
0x3f: {  	[spmem:s10] =	stream.strided.scatter [tilespmem:s22], [sflag:$0x3], $0x800, s28, s29, $0x38;
	[tilespmem:$0x1F200] =	vst v63  }
0x40: {  	_ =	swait.ge [sflag:s30], $0x2000  }
0x41: {  	[sflag:s30] =	ssyncset.done $0x0  }
0x42: {  	[sflag:s30] =	ssyncadd.s32 $0xFFFFE000  }
0x43: {  	_ =	swait.ge [sflag:s30], $0x800  }
0x44: {  	[sflag:s30] =	ssyncset.done $0x0  }
0x45: {  	[sflag:s30] =	ssyncadd.s32 $0xFFFFF800  }
0x46: {  	_ =	swait.ge [sflag:s30], $0x800  }
0x47: {  	s14 =	sshll.u32 s1, $0x6;
	[sflag:s30] =	ssyncset.done $0x0  }
0x48: {  	s7 =	sshrl.u32 s8, $0x3;
	s2 =	sor.u32 $0x1C04, s14;
	[sflag:s30] =	ssyncadd.s32 $0xFFFFF800  }
0x49: {  	[hbm:s15], [sflag:s2] =	dma.local [spmem:s7], $0x600  }
0x4a: {  	_ =	swait.ge [sflag:s31], $0x2000  }
0x4b: {  	[sflag:s31] =	ssyncset.done $0x0  }
0x4c: {  	[sflag:s31] =	ssyncadd.s32 $0xFFFFE000  }
0x4d: {  	_ =	swait.ge [sflag:s31], $0x800  }
0x4e: {  	[sflag:s31] =	ssyncset.done $0x0  }
0x4f: {  	[sflag:s31] =	ssyncadd.s32 $0xFFFFF800  }
0x50: {  	p0 =	seq.s32 s16, $0x19400;
	_ =	swait.ge [sflag:s31], $0x800  }
0x51: {  	s0 =	simm.s32 @!p0 $0x80;
	s7 =	sshra.s32 @!p0 s16, $0x2;
	[sflag:s31] =	ssyncset.done $0x0  }
0x52: {  	s2 =	simm.s32 @!p0 $0x13200;
	s17 =	sadd.s32 @!p0 $0x100, s7;
	[sflag:s31] =	ssyncadd.s32 $0xFFFFF800  }
0x53: {  	[tilespmem:s2], [sflag:$0x1] =	stream.indirect.gather @!p0 [hbm4b:s3+s0], $0x40, s17, s0, $0xb8;
	[tilespmem:$0x1F200] =	vst v63  }
0x54: {  	s2 =	sadd.s32 @!p0 $0x6700, s7;
	s17 =	simm.s32 @!p0 $0x17200  }
0x55: {  	[tilespmem:s17], [sflag:$0x1] =	stream.indirect.gather @!p0 [hbm4b:s4+s0], $0x10, s2, s0, $0xb8;
	[tilespmem:$0x1F200] =	vst v63  }
0x56: {  	p1 =	seq.s32 @!p0 s16, $0x0;
	s2 =	sadd.s32 @!p0 $0xCD00, s7;
	s7 =	simm.s32 @!p0 $0x18200  }
0x57: {  	[tilespmem:s7], [sflag:$0x1] =	stream.indirect.gather @!p0 [hbm4b:s4+s0], $0x10, s2, s0, $0xb8;
	[tilespmem:$0x1F200] =	vst v63  }
0x58: {  	p0 =	por p0, !p1  }
0x59: {  	_ =	swait.ge @p0 [sflag:s5], $0x600  }
0x5a: {  	[sflag:s5] =	ssyncset.done @p0 $0x0  }
0x5b: {  	[sflag:s5] =	ssyncadd.s32 @p0 $0xFFFFFA00  }
0x5c: {  	[spmem:s11] =	stream.strided.scatter [tilespmem:s23], [sflag:$0x3], $0x2000, s28, s26, $0x38;
	[tilespmem:$0x1F200] =	vst v63  }
0x5d: {  	_ = 	snop  }
0x5e: {  	[spmem:s12] =	stream.strided.scatter [tilespmem:s24], [sflag:$0x3], $0x800, s28, s29, $0x38;
	[tilespmem:$0x1F200] =	vst v63  }
0x5f: {  	_ = 	snop  }
0x60: {  	[spmem:s13] =	stream.strided.scatter [tilespmem:s25], [sflag:$0x3], $0x800, s28, s29, $0x38;
	[tilespmem:$0x1F200] =	vst v63  }
0x61: {  	_ =	swait.ge [sflag:s30], $0x2000  }
0x62: {  	[sflag:s30] =	ssyncset.done $0x0  }
0x63: {  	[sflag:s30] =	ssyncadd.s32 $0xFFFFE000  }
0x64: {  	s16 =	sadd.s32 $0x400, s16;
	_ =	swait.ge [sflag:s30], $0x800  }
0x65: {  	p0 =	sne.s32 s16, $0x19800;
	[sflag:s30] =	ssyncset.done $0x0  }
.Ltmp0:
0x66: {  	[sflag:s30] =	ssyncadd.s32 $0xFFFFF800;
	(pc) =	sbr.rel @p0 .LBB2_2-.Ltmp0, $4  }
0x67: {  	_ =	swait.ge [sflag:s30], $0x800  }
0x68: {  	s14 =	sor.u32 $0x1C05, s14;
	s17 =	sshrl.u32 s11, $0x3;
	[sflag:s30] =	ssyncset.done $0x0  }
0x69: {  	s7 =	sadd.s32 $0x600, s15;
	s15 =	sadd.s32 $0xC00, s15;
	[sflag:s30] =	ssyncadd.s32 $0xFFFFF800  }
0x6a: {  	[hbm:s7], [sflag:s14] =	dma.local [spmem:s17], $0x600  }
0x6b: {  	s0 =	simm.s32 $0x4  }
0x6c: {  	_ =	swait.ge [sflag:s0], $0x600  }
0x6d: {  	[sflag:s0] =	ssyncset.done $0x0  }
0x6e: {  	[sflag:s0] =	ssyncadd.s32 $0xFFFFFA00  }
0x6f: {  	_ =	swait.ge [sflag:s5], $0x600  }
0x70: {  	s6 =	sadd.s32 $0x1, s6;
	s17 =	rddreg [dreg:$0x7]  }
0x71: {  	p0 =	sne.s32 s6, s17  }
.Ltmp1:
0x72: {  	_ = 	snop;
	(pc) =	sbr.rel @p0 .LBB2_1-.Ltmp1, $3  }
0x73: {  	_ =	sdelay $0x1  }
0x74: {  	[sflag:s5] =	ssyncset.done $0x0  }
0x75: {  	[sflag:s5] =	ssyncadd.s32 $0xFFFFFA00  }
0x76: {  	_ =	sfence.sel $0x180000  }
0x77: {  	[bflag:$0x0] =	sbarrier.arrive $0xFFFF  }
0x78: {  	_ =	strace $0x90000047  }
0x79: {  	[bflag:$0x2] =	sbarrier.arrive $0xFFFF  }
0x7a: {  	p0 =	sne.s32 s1, $0x0;
	s0 =	rddreg [dreg:$0x3]  }
0x7b: {  	s0 =	sadd.s32 @!p0 $0x100000, s0  }
0x7c: {  	[sflag:s0] =	ssyncadd.tile.s32 @!p0 $0x1;
	_ =	shalt  }
.Lfunc_end2:
_tile_overlayer_lowered:
.L_overlay_start_2:
0x7d: {  	(tag) =	ssettag $0x2  }
0x7e: {  	s0 =	rddreg [dreg:$0x0];
	s2 =	stileid.u32  }
0x7f: {  	s1 =	rddreg [dreg:$0x1];
	p0 =	sne.s32 s2, $0x0  }
0x80: {  	s3 =	rddreg [dreg:$0x2];
	[bflag:$0x3] =	sbarrier.arrive $0xFFFF;
	s2 =	simm.s32 @!p0 $0x1C06  }
0x81: {  	[timem:s3], [sflag:s2] =	dma.local @!p0 [hbm:s0], s1  }
0x82: {  	s0 =	simm.s32 @!p0 $0x6  }
0x83: {  	_ =	swait.ge @!p0 [sflag:s0], s1  }
0x84: {  	s1 =	ssub.s32 @!p0 $0x0, s1;
	[sflag:s0] =	ssyncset.done @!p0 $0x0  }
0x85: {  	[sflag:s0] =	ssyncadd.s32 @!p0 s1  }
0x86: {  	[bflag:$0x3] =	sbarrier.arrive $0xFFFF  }
0x87: {  	_ =	shalt  }

// kernel: sparse-core-data-format-call.cloned.1.call-start
scs
called_computation_lowered:
.L_overlay_start_0:
0x0: {  	s2 =	sld [smem:$0x3FD9]  }
0x1: {  	s3 =	sld [smem:$0x3FFE];
	_ =	sdelay $0x1  }
0x2: {  	s1 =	srdreg.scid  }
0x3: {  	s0 =	sand.u32 $0x1, s1  }
0x4: {  	s18 =	sshll.u32 s0, $0xA;
	s2 =	sadd.s32 s3, s2  }
0x5: {  	s2 =	sadd.s32 s2, s18  }
0x6: {  	[smem:$0x3FC3] =	sst s2  }
0x7: {  	_ = 	snop  }
0x8: {  	s2 =	sld [smem:$0x3FD0];
	(tm) =	ssettm $0x1  }
0x9: {  	s19 =	sld [smem:$0x3FFB];
	_ =	sdelay $0x3  }
0xa: {  	_ =	strace s19  }
0xb: {  	s3 =	sld [smem:$0x3FFC];
	_ =	sdelay $0x3  }
0xc: {  	_ =	strace s3  }
0xd: {  	s3 =	sld [smem:$0x3FFD];
	_ =	sdelay $0x3  }
0xe: {  	_ =	strace s3  }
0xf: {  	_ =	strace $0x8FFFFFFF  }
0x10: {  	s20 =	sld [smem:$0x3FDB];
	_ =	sdelay $0x1  }
0x11: {  	s4 =	simm.s32 $_scs_section_size  }
0x12: {  	s5 =	simm.s32 $_size__tile_overlayer_lowered;
	s6 =	simm.s32 $_tile_overlayer_lowered  }
0x13: {  	s23 =	simm.s32 $0x1BFF;
	s22 =	sshll.u32 s6, $0x1;
	s3 =	sadd.s32 s4, s20  }
0x14: {  	s7 =	simm.s32 $0x0;
	s21 =	sshll.u32 s5, $0x1;
	s5 =	sadd.s32 s22, s3  }
0x15: {  	[timem:s7], [sflag:s23] =	dma.local [hbm:s5], s21  }
0x16: {  	_ =	swait.ge [sflag:s23], s21  }
0x17: {  	s4 =	ssub.s32 $0x0, s21;
	[sflag:s23] =	ssyncset.done $0x0  }
0x18: {  	[sflag:s23] =	ssyncadd.s32 s4;
	_ =	sdelay $0x1  }
0x19: {  	s24 =	simm.s32 $0x1B8B  }
0x1a: {  	_ =	swait.ge [sflag:s24], $0x1  }
0x1b: {  	[sflag:s24] =	ssyncset.done $0x0  }
0x1c: {  	s26 =	simm.s32 $0x1B8E;
	s25 =	sld [smem:$0x3FFE];
	[sflag:s24] =	ssyncadd.s32 $0xFFFFFFFF  }
0x1d: {  	s27 =	simm.s32 $execute0_lowered;
	[smem:$0x3FD2] =	sst s26  }
0x1e: {  	s5 =	sshll.u32 s27, $0x1;
	_ =	strace $0x80000049;
	[dreg:$0x1] =	wrdreg $0xFFFFFFFF  }
0x1f: {  	s28 =	simm.s32 $_size_execute0_lowered;
	s3 =	sadd.s32 s3, s5;
	[dreg:$0x0] =	wrdreg $0x0  }
0x20: {  	s5 =	sshll.u32 s28, $0x1;
	[dreg:$0x2] =	wrdreg s3  }
0x21: {  	[dreg:$0x3] =	wrdreg s5  }
0x22: {  	[dreg:$0x4] =	wrdreg $0xC0  }
0x23: {  	_ =	task [dreg:s7], $0x5FFFF  }
0x24: {  	[dreg:$0x1] =	wrdreg $0xFFFFFFFF  }
0x25: {  	[dreg:$0x0] =	wrdreg $0x60  }
0x26: {  	[dreg:$0x2] =	wrdreg s25  }
0x27: {  	[dreg:$0x3] =	wrdreg s2  }
0x28: {  	[dreg:$0x4] =	wrdreg $0x9  }
0x29: {  	_ =	task.clear_ibuf [dreg:s7], $0x5FFFF;
	_ =	strace $0x90000049  }
0x2a: {  	s29 =	simm.s32 $0x9;
	_ =	strace $0x8000004B  }
0x2b: {  	_ =	swait.ge [sflag:s29], $0x1  }
0x2c: {  	[sflag:s29] =	ssyncadd.s32 $0xFFFFFFFF  }
0x2d: {  	_ =	strace $0x9000004B  }
0x2e: {  	_ =	sfence  }
0x2f: {  	s30 =	sld [smem:$0x0];
	_ =	sdelay $0x2  }
0x30: {  	s31 =	sshll.u32 s1, $0xD;
	s1 =	sshrl.u32 s1, $0x2  }
0x31: {  	s3 =	sand.u32 $0x4000, s31;
	s1 =	sadd.s32 s1, s30  }
0x32: {  	s0 =	sor.u32 s3, s0;
	s1 =	sshll.u32 s1, $0x11  }
0x33: {  	s0 =	sor.u32 s1, s0  }
0x34: {  	s0 =	sadd.s32 $0x8F2B, s0  }
0x35: {  	[sflag:s0] =	ssyncadd.remote.s32 $0x1  }
0x36: {  	_ =	sfence.sel $0xFFFF  }
0x37: {  	[dreg:$0x0] =	wrdreg $0xFFFFFFFF;
	(pc) =	sbr.abs _section_cstart, $3  }
0x38: {  	[dreg:$0x1] =	wrdreg $0xFFFFFFFF  }
0x39: {  	_ =	task.clear_ibuf [dreg:s7], $0x2FFFF;
	_ =	strace $0x9FFFFFFF  }
0x3a: {  	(tm) =	ssettm $0x7FFFFFFF  }
0x3b: {  	_ =	shalt  }
tec
execute0_lowered:
.L_overlay_start_1:
0x0: {  	(tag) =	ssettag $0x1  }
0x1: {  	s0 =	srdreg.scid  }
0x2: {  	s1 =	sshll.u32 s0, $0x4  }
0x3: {  	s6 =	rddreg [dreg:$0x0];
	s0 =	stileid.u32;
	s1 =	sand.u32 $0x10, s1  }
0x4: {  	s3 =	rddreg [dreg:$0x1];
	s1 =	sor.u32 s0, s1  }
0x5: {  	s5 =	simm.s32 $0x1;
	s31 =	simm.s32 $0x2;
	s2 =	sshll.u32 s1, $0x7  }
0x6: {  	s15 =	simm.s32 $0x0;
	s8 =	simm.s32 $0x8000;
	s4 =	ssub.s32 $0x1000, s2  }
0x7: {  	s14 =	simm.s32 $0x0;
	s9 =	simm.s32 $0x0;
	s30 =	sand.u32 $0xF80, s4  }
0x8: {  	s10 =	simm.s32 $0x0;
	s11 =	simm.s32 $0x0;
	p0 =	sne.s32 s30, $0x0  }
.Ltmp0:
0x9: {  	s7 =	sshrl.u32 s4, $0xC;
	s5 =	simm.s32 @!p0 $0x0;
	(pc) =	sbr.rel .LBB1_1-.Ltmp0, $4  }
0xa: {  	s13 =	simm.s32 $0x0;
	s1 =	rddreg [dreg:$0x2];
	s5 =	sadd.s32 s5, s7  }
0xb: {  	_ =	strace $0x8000004A;
	s4 =	simm.s32 $0x1;
	s5 =	smul.u32 $0xCC, s5  }
0xc: {  	s6 =	sadd.s32 $0x1400, s6;
	s12 =	smov.u32 s2;
	[sflag:s4] =	ssyncpa.u1 $0x0  }
0xd: {  	[sflag:s31] =	ssyncpa.u1 $0x0;
	p0 =	por $0x0, $0x0;
	s7 =	sor.u32 $0x1, s5  }
.LBB1_4:
0xe: {  	s20 =	sshra.s32 s20, $0x2;
	s28 =	sshll.u32 s10, $0x3;
	p1 =	sgt.s32 s9, $0xCB  }
0xf: {  	s21 =	smov.u32 s9;
	s23 =	sshra.s32 s9, $0x1F;
	s24 =	smov.u32 s10  }
0x10: {  	v5 =	vld [tilespmem:s17+$0xFFFFFFD0];
	[tilespmem:s18+$0x2040 ss:$0x81] =	vst.msk $0xffff, v4;
	s25 =	sshra.s32 s10, $0x1F;
	s26 =	sand.u32 $0x78, s10;
	s19 =	sadd.s32 s20, s19  }
0x11: {  	v58 =	vld [tilespmem:s17+$0xFFFFFFE0];
	[tilespmem:s18+$0x2850 ss:$0x81] =	vst.msk $0xffff, v3;
	s22 =	sshrl.u32 s28, $0xC;
	s21 =	simm.s32 @!p1 $0xCB;
	s23 =	sand.u32 s23, s9  }
0x12: {  	v59 =	vld [tilespmem:s17+$0xFFFFFFF0];
	[tilespmem:s18+$0x3060 ss:$0x81] =	vst.msk $0xffff, v2;
	p1 =	sgt.s32 s10, $0xF80;
	s29 =	sand.u32 s25, s10;
	s20 =	sand.u32 $0xC00, s28  }
0x13: {  	v60 =	vld [tilespmem:s17+$0x0];
	[tilespmem:s18+$0x0 ss:$0x81] =	vst.msk $0xffff, v0;
	s28 =	smul.u32 $0xC000, s9;
	s21 =	ssub.s32 s21, s23;
	s24 =	simm.s32 @!p1 $0xF80  }
0x14: {  	v61 =	vld [tilespmem:s17+$0x10];
	s30 =	smulhi.u32 $0x2AAAAAB, s22;
	[tilespmem:s19+$0x3870 ss:$0x81] =	vst.msk $0xffff, v1;
	s20 =	sor.u32 s26, s20;
	s31 =	ssub.s32 $0xCC, s21  }
0x15: {  	v62 =	vld [tilespmem:s17+$0x20];
	s23 =	ssub.s32 s24, s29;
	s21 =	sadd.s32 $0xFFFFFF35, s21;
	s25 =	smul.u32 $0x60, s31;
	[tilespmem:s19+$0x810 ss:$0x81] =	vst.msk $0xffff, v5  }
0x16: {  	v63 =	vld [tilespmem:s17+$0xFFFFFFC0];
	s18 =	smul.u32 $0x60, s30;
	p1 =	sgt.s32 s21, $0x0;
	s27 =	sadd.s32 $0xFFFFF080, s23;
	[tilespmem:s19+$0x1020 ss:$0x81] =	vst.msk $0xffff, v58  }
0x17: {  	s17 =	ssub.s32 $0x1000, s23;
	[tilespmem:s19+$0x1830 ss:$0x81] =	vst.msk $0xffff, v59;
	s25 =	simm.s32 @p1 $0x0;
	p1 =	sgt.s32 s27, $0x7F  }
0x18: {  	s29 =	sand.u32 $0x7, s10;
	[tilespmem:s19+$0x2040 ss:$0x81] =	vst.msk $0xffff, v60;
	s18 =	ssub.s32 s22, s18;
	s17 =	simm.s32 @p1 $0x0  }
0x19: {  	s21 =	sadd.s32 s3, s28;
	[tilespmem:s19+$0x2850 ss:$0x81] =	vst.msk $0xffff, v61;
	s18 =	sshll.u32 s18, $0x9;
	s17 =	smul.u32 s17, s25  }
0x1a: {  	s20 =	sshrl.u32 s20, $0x3;
	s30 =	sshll.u32 s29, $0x12;
	[tilespmem:s19+$0x3060 ss:$0x81] =	vst.msk $0xffff, v62;
	s18 =	sadd.s32 s18, s21  }
0x1b: {  	[tilespmem:s19+$0x0 ss:$0x81] =	vst.msk $0xffff, v63;
	s31 =	sor.u32 $0x400, s30;
	s18 =	sadd.s32 s20, s18;
	s17 =	sand.u32 $0x3FFFFFE0, s17  }
0x1c: {  	[hbm4b:s18+s31] =	stream.strided.scatter [tilespmem:s16], [sflag:$0x2], s17, s8, s31, $0x20;
	[tilespmem:$0x10100] =	vst v63  }
.LBB1_5:
0x1d: {  	p1 =	slt.u32 s13, $0x2  }
0x1e: {  	s17 =	smov.u32 s15;
	p2 =	sgt.s32 @!p1 s15, $0xCB;
	s16 =	sshra.s32 @!p1 s15, $0x1F  }
0x1f: {  	p3 =	sgt.s32 @!p1 s14, $0xF80;
	s18 =	sshra.s32 @!p1 s14, $0x1F;
	p2 =	por !p2, p1  }
0x20: {  	s15 =	sand.u32 @!p1 s16, s15;
	p3 =	por !p3, p1;
	s16 =	smov.u32 s14  }
0x21: {  	s14 =	sand.u32 @!p1 s18, s14;
	s17 =	simm.s32 @p2 $0xCB;
	s16 =	simm.s32 @p3 $0xF80  }
0x22: {  	s18 =	smov.u32 s12;
	s15 =	ssub.s32 @!p1 s17, s15;
	s14 =	ssub.s32 @!p1 s16, s14  }
0x23: {  	s16 =	sadd.s32 @!p1 $0xFFFFFF35, s15;
	s15 =	ssub.s32 @!p1 $0xCC, s15;
	s17 =	sadd.s32 @!p1 $0xFFFFF080, s14  }
0x24: {  	p2 =	sgt.s32 @!p1 s16, $0x0;
	s15 =	smul.u32 @!p1 $0x60, s15;
	p3 =	sgt.s32 @!p1 s17, $0x7F  }
0x25: {  	s14 =	ssub.s32 @!p1 $0x1000, s14;
	p2 =	por !p2, p1;
	p3 =	por !p3, p1  }
0x26: {  	s16 =	sadd.s32 $0x1, s11;
	s15 =	simm.s32 @!p2 $0x0;
	s14 =	simm.s32 @!p3 $0x0  }
0x27: {  	p2 =	sgt.s32 s16, $0xCB;
	s14 =	smul.u32 @!p1 s14, s15;
	s15 =	sadd.s32 $0x1000, s12  }
0x28: {  	s18 =	smov.u32 @p2 s15  }
0x29: {  	s16 =	simm.s32 @p2 $0x0;
	p2 =	sgt.s32 s18, $0xFFF  }
0x2a: {  	s18 =	smov.u32 @p2 s2;
	p2 =	sne.s32 s13, s7  }
.Ltmp1:
0x2b: {  	p0 =	por !p0, !p0;
	s17 =	simm.s32 @!p1 $0x2;
	(pc) =	sbr.rel @!p2 .LBB1_6-.Ltmp1, $4  }
0x2c: {  	s15 =	smov.u32 s9;
	s9 =	smov.u32 s11;
	s14 =	sand.u32 @!p1 $0x3FFFFFE0, s14  }
0x2d: {  	s11 =	smov.u32 s16;
	_ =	swait.ge @!p1 [sflag:s17], s14;
	s19 =	ssub.s32 @!p1 $0x0, s14  }
0x2e: {  	s14 =	smov.u32 s10;
	s13 =	sadd.s32 $0x1, s13;
	[sflag:s17] =	ssyncset.done @!p1 $0x0  }
0x2f: {  	s10 =	smov.u32 s12;
	s12 =	smov.u32 s18;
	[sflag:s17] =	ssyncadd.s32 @!p1 s19  }
.LBB1_1:
0x30: {  	p1 =	sge.u32 s13, s5  }
0x31: {  	s16 =	sand.u32 @!p1 $0x1FFFFFF, s11  }
0x32: {  	s17 =	smulhi.u32 @!p1 $0x2762763, s16;
	_ =	sdelay $0x1  }
0x33: {  	s17 =	sshrl.u32 @!p1 s17, $0x1  }
0x34: {  	s17 =	smul.u32 @!p1 $0xD0, s17  }
0x35: {  	s18 =	sxor.u32 @!p1 $0xFFFFFFFF, s13;
	s19 =	smul.u32 @!p1 $0xD00, s12  }
0x36: {  	s31 =	sadd.s32 $0xFFFFFFFF, s13;
	s18 =	sshll.u32 @!p1 s18, $0xE;
	s16 =	ssub.s32 @!p1 s16, s17  }
0x37: {  	s17 =	sand.u32 @!p1 $0x4000, s18;
	s18 =	sadd.s32 @!p1 s6, s19;
	s16 =	sshll.u32 @!p1 s16, $0x4  }
0x38: {  	s19 =	simm.s32 @!p1 $0x6800;
	s16 =	sadd.s32 @!p1 s16, s18;
	s18 =	simm.s32 @!p1 $0x80  }
0x39: {  	[tilespmem:s17], [sflag:$0x1] =	stream.strided.gather @!p1 [hbm4b:s16+s18], $0x4000, s19, s18, $0x38;
	[tilespmem:$0x10100] =	vst v63  }
0x3a: {  	p1 =	sge.u32 s31, s5  }
.Ltmp2:
0x3b: {  	_ = 	snop;
	(pc) =	sbr.rel @p1 .LBB1_5-.Ltmp2, $1  }
0x3c: {  	_ =	sdelay $0x3  }
0x3d: {  	s16 =	simm.s32 $0x1  }
0x3e: {  	_ =	swait.ge [sflag:s4], $0x4000;
	s16 =	simm.s32 @!p0 $0x0  }
0x3f: {  	[sflag:s4] =	ssyncset.done $0x0;
	s17 =	sshll.u32 s16, $0xE  }
0x40: {  	[sflag:s4] =	ssyncadd.s32 $0xFFFFC000;
	s17 =	sor.u32 $0x40, s17  }
0x41: {  	s16 =	smul.u32 $0x10200, s16;
	v0 =	vld [tilespmem:s17+$0x30]  }
0x42: {  	v1 =	vld [tilespmem:s17+$0xFFFFFFD0]  }
0x43: {  	s16 =	sshrl.u32 s16, $0x2;
	v5 =	vld [tilespmem:s17+$0xFFFFFFE0]  }
0x44: {  	v6 =	vld [tilespmem:s17+$0xFFFFFFF0];
	s19 =	sor.u32 $0x8000, s16  }
0x45: {  	s31 =	sand.u32 $0x1, s13;
	v4 =	vld [tilespmem:s17+$0x0];
	s18 =	sadd.s32 $0x0, s19  }
0x46: {  	v3 =	vld [tilespmem:s17+$0x10];
	s16 =	smul.u32 $0x10200, s31;
	[tilespmem:s18+$0x3870 ss:$0x81] =	vst.msk $0xffff, v0  }
0x47: {  	v2 =	vld [tilespmem:s17+$0x20];
	[tilespmem:s18+$0x810 ss:$0x81] =	vst.msk $0xffff, v1  }
0x48: {  	s16 =	sshrl.u32 s16, $0x2;
	v0 =	vld [tilespmem:s17+$0xFFFFFFC0];
	[tilespmem:s18+$0x1020 ss:$0x81] =	vst.msk $0xffff, v5;
	s17 =	sadd.s32 $0x80, s17  }
0x49: {  	s20 =	simm.s32 $0x4;
	s21 =	simm.s32 $0x8;
	s16 =	sor.u32 $0x8000, s16;
	[tilespmem:s18+$0x1830 ss:$0x81] =	vst.msk $0xffff, v6;
	v1 =	vld [tilespmem:s17+$0x30]  }
.LBB1_3:
0x4a: {  	p1 =	sne.s32 s21, $0x1FC;
	v5 =	vld [tilespmem:s17+$0xFFFFFFD0];
	[tilespmem:s18+$0x2040 ss:$0x81] =	vst.msk $0xffff, v4  }
0x4b: {  	v6 =	vld [tilespmem:s17+$0xFFFFFFE0];
	[tilespmem:s18+$0x2850 ss:$0x81] =	vst.msk $0xffff, v3  }
0x4c: {  	s22 =	sshra.s32 s20, $0x2;
	s20 =	smov.u32 s21;
	v7 =	vld [tilespmem:s17+$0xFFFFFFF0];
	[tilespmem:s18+$0x3060 ss:$0x81] =	vst.msk $0xffff, v2  }
.Ltmp3:
0x4d: {  	v4 =	vld [tilespmem:s17+$0x0];
	[tilespmem:s18+$0x0 ss:$0x81] =	vst.msk $0xffff, v0;
	s18 =	sadd.s32 s22, s19;
	(pc) =	sbr.rel @p1 .LBB1_3-.Ltmp3, $4  }
0x4e: {  	v3 =	vld [tilespmem:s17+$0x10];
	[tilespmem:s18+$0x3870 ss:$0x81] =	vst.msk $0xffff, v1  }
0x4f: {  	[tilespmem:s18+$0x810 ss:$0x81] =	vst.msk $0xffff, v5;
	v2 =	vld [tilespmem:s17+$0x20]  }
0x50: {  	v0 =	vld [tilespmem:s17+$0xFFFFFFC0];
	[tilespmem:s18+$0x1020 ss:$0x81] =	vst.msk $0xffff, v6;
	s17 =	sadd.s32 $0x80, s17  }
0x51: {  	s21 =	sadd.s32 $0x4, s21;
	v1 =	vld [tilespmem:s17+$0x30];
	[tilespmem:s18+$0x1830 ss:$0x81] =	vst.msk $0xffff, v7  }
.Ltmp4:
0x52: {  	_ = 	snop;
	(pc) =	sbr.rel .LBB1_4-.Ltmp4, $1  }
0x53: {  	_ =	sdelay $0x3  }
.LBB1_6:
0x54: {  	_ =	sfence.sel $0x180000  }
0x55: {  	s2 =	simm.s32 $0x1;
	[bflag:$0x0] =	sbarrier.arrive $0xFFFF  }
0x56: {  	s31 =	simm.s32 $0x2;
	[sflag:s2] =	ssyncpa.u1 $0x1  }
0x57: {  	[sflag:s31] =	ssyncpa.u1 $0x1  }
0x58: {  	p0 =	sne.s32 s0, $0x0;
	_ =	strace $0x9000004A  }
0x59: {  	s0 =	sadd.s32 @!p0 $0x100000, s1;
	[bflag:$0x2] =	sbarrier.arrive $0xFFFF  }
0x5a: {  	[sflag:s0] =	ssyncadd.tile.s32 @!p0 $0x1;
	_ =	shalt  }
.Lfunc_end1:
_tile_overlayer_lowered:
.L_overlay_start_2:
0x5b: {  	(tag) =	ssettag $0x2  }
0x5c: {  	s0 =	rddreg [dreg:$0x0];
	s2 =	stileid.u32  }
0x5d: {  	s1 =	rddreg [dreg:$0x1];
	p0 =	sne.s32 s2, $0x0  }
0x5e: {  	s3 =	rddreg [dreg:$0x2];
	[bflag:$0x3] =	sbarrier.arrive $0xFFFF;
	s2 =	simm.s32 @!p0 $0x1C01  }
0x5f: {  	[timem:s3], [sflag:s2] =	dma.local @!p0 [hbm:s0], s1  }
0x60: {  	s0 =	simm.s32 @!p0 $0x1  }
0x61: {  	_ =	swait.ge @!p0 [sflag:s0], s1  }
0x62: {  	s1 =	ssub.s32 @!p0 $0x0, s1;
	[sflag:s0] =	ssyncset.done @!p0 $0x0  }
0x63: {  	[sflag:s0] =	ssyncadd.s32 @!p0 s1  }
0x64: {  	[bflag:$0x3] =	sbarrier.arrive $0xFFFF  }
0x65: {  	_ =	shalt  }

</sc_bundles>
